<compile_context>
chip_gen: v7x
topology: tpu7x:2x2x1
jax: 0.10.2.dev20260603
libtpu: 0.0.44.dev20260713+nightly
codegen_flags: <defaults>
</compile_context>

<pallas_src>
import functools

import jax
import jax.numpy as jnp
from jax import lax
from jax.experimental import pallas as pl
from jax.experimental.pallas import tpu as pltpu
from jax.experimental.pallas import tpu_sc as plsc

N = 10000
G = 8
NPG = N // G
E = 320000
D = 128
C = 64
K = 16
HID = 32

NC = 2
NS = 16
NW = NC * NS
EPW = E // NW
CH = 80
NCH = EPW // CH
NBUF = 5
PRE = 2
SRW = 624
TAIL = N - NS * SRW


def _mlp_body(x_ref, w1_ref, b1_ref, w2_ref, b2_ref, recv_ref, assign_ref,
              apack_ref, coarse_ref, recvq_ref):
    r = recv_ref[...]
    recvq_ref[...] = jnp.where(r < N // 2, 2 * r, 2 * (r - N // 2) + 1)
    x = x_ref[...]
    h = jnp.dot(x, w1_ref[...], preferred_element_type=jnp.float32)
    h = jnp.maximum(h + b1_ref[0], 0.0)
    logits = jnp.dot(h, w2_ref[...], preferred_element_type=jnp.float32)
    logits = logits + b2_ref[0]
    m = jnp.max(logits, axis=-1, keepdims=True)
    e = jnp.exp(logits - m)
    a = e / jnp.sum(e, axis=-1, keepdims=True)
    assign_ref[...] = a
    apack_ref[...] = jnp.concatenate([a[:N // 2], a[N // 2:]], axis=1)
    for g in range(G):
        coarse_ref[pl.ds(g * C, C), :] = lax.dot_general(
            a[g * NPG:(g + 1) * NPG], x[g * NPG:(g + 1) * NPG],
            (((0,), (0,)), ((), ())), preferred_element_type=jnp.float32)


def _stage1(nodes, w1, b1, w2, b2, receivers):
    return pl.pallas_call(
        _mlp_body,
        out_shape=[
            jax.ShapeDtypeStruct((N, C), jnp.float32),
            jax.ShapeDtypeStruct((N // 2, 2 * C), jnp.float32),
            jax.ShapeDtypeStruct((G * C, D), jnp.float32),
            jax.ShapeDtypeStruct((E,), jnp.int32),
        ],
        compiler_params=pltpu.CompilerParams(fuse_transposed_lhs_in_matmul=True),
    )(nodes, w1, b1, w2, b2, receivers)


def _edge_body(assign_hbm, senders_hbm, receivers_hbm, zeros_hbm, t_hbm,
               sidx_v, ridx_v, sbuf0, sbuf1, sbuf2, sbuf3, sbuf4,
               rows_v, t_sh, gsem, ssem):
    sbufs = (sbuf0, sbuf1, sbuf2, sbuf3, sbuf4)
    cid = lax.axis_index("c")
    sid = lax.axis_index("s")
    wid = sid * NC + cid
    pltpu.sync_copy(receivers_hbm.at[pl.ds(wid * EPW, EPW)], ridx_v)

    for b in range(NBUF):
        pltpu.make_async_copy(assign_hbm.at[ridx_v.at[pl.ds(b * CH, CH)]],
                              rows_v.at[b], gsem.at[b]).start()

    pltpu.sync_copy(senders_hbm.at[pl.ds(wid * EPW, EPW)], sidx_v)
    stripe = pl.multiple_of(sid * SRW, 8)
    pltpu.sync_copy(zeros_hbm, t_sh.at[pl.ds(stripe, SRW)])

    @pl.when(sid == NS - 1)
    def _zero_tail():
        pltpu.sync_copy(zeros_hbm.at[pl.ds(0, TAIL)],
                        t_sh.at[pl.ds(NS * SRW, TAIL)])

    plsc.subcore_barrier()

    def outer(g, carry):
        for b in range(NBUF):
            c = g * NBUF + b
            pltpu.make_async_copy(assign_hbm.at[ridx_v.at[pl.ds(b * CH, CH)]],
                                  rows_v.at[b], gsem.at[b]).wait()
            for j in range(CH // 16):
                sbufs[0][pl.ds(j * 16, 16)] = sidx_v[pl.ds(c * CH + j * 16, 16)]
            pltpu.sync_copy(rows_v.at[b], t_sh.at[sbufs[0]], add=True)
            cn = c + NBUF

            @pl.when(cn < NCH)
            def _prefetch():
                pltpu.make_async_copy(
                    assign_hbm.at[ridx_v.at[pl.ds(cn * CH, CH)]],
                    rows_v.at[b], gsem.at[b]).start()
        return carry

    lax.fori_loop(0, NCH // NBUF, outer, 0)
    plsc.subcore_barrier()
    pltpu.sync_copy(t_sh.at[pl.ds(stripe, SRW)],
                    t_hbm.at[cid, pl.ds(stripe, SRW), pl.ds(0, C)])

    @pl.when(sid == NS - 1)
    def _write_tail():
        pltpu.sync_copy(t_sh.at[pl.ds(NS * SRW, TAIL)],
                        t_hbm.at[cid, pl.ds(NS * SRW, TAIL), pl.ds(0, C)])


def _stage2(assignments, senders, receivers, zeros):
    run = pl.kernel(
        _edge_body,
        out_type=jax.ShapeDtypeStruct((NC, N, 2 * C), jnp.float32),
        mesh=plsc.VectorSubcoreMesh(core_axis_name="c", subcore_axis_name="s"),
        scratch_types=[
            pltpu.VMEM((EPW,), jnp.int32),
            pltpu.VMEM((EPW,), jnp.int32),
            pltpu.VMEM((CH,), jnp.int32),
            pltpu.VMEM((CH,), jnp.int32),
            pltpu.VMEM((CH,), jnp.int32),
            pltpu.VMEM((CH,), jnp.int32),
            pltpu.VMEM((CH,), jnp.int32),
            pltpu.VMEM((NBUF, CH, C), jnp.float32),
            pltpu.VMEM_SHARED((N, C), jnp.float32),
            pltpu.SemaphoreType.DMA((NBUF,)),
            pltpu.SemaphoreType.DMA((NBUF,)),
        ],
        compiler_params=pltpu.CompilerParams(use_tc_tiling_on_sc=False),
    )
    return run(assignments, senders, receivers, zeros)


def _adj_body(a_ref, t_ref, vals_ref, idx_ref):
    t = t_ref[0, :, :C] + t_ref[1, :, :C]
    a = a_ref[...]
    adjs = []
    for g in range(G):
        ag = a[g * NPG:(g + 1) * NPG]
        tg = t[g * NPG:(g + 1) * NPG]
        adjs.append(lax.dot_general(
            ag, tg, (((0,), (0,)), ((), ())),
            preferred_element_type=jnp.float32))
    work = jnp.concatenate(adjs, axis=0)
    jj = lax.broadcasted_iota(jnp.int32, (G * C, C), 1)
    vals_cols, idx_cols = [], []
    for _ in range(K):
        m = jnp.max(work, axis=-1, keepdims=True)
        idx = jnp.argmax(work, axis=-1).astype(jnp.int32)[:, None]
        vals_cols.append(m)
        idx_cols.append(idx)
        work = jnp.where(jj == idx, jnp.finfo(jnp.float32).min, work)
    vals_ref[...] = jnp.concatenate(vals_cols, axis=1)
    idx_ref[...] = jnp.concatenate(idx_cols, axis=1)


def _stage3(assignments, t):
    return pl.pallas_call(
        _adj_body,
        out_shape=[
            jax.ShapeDtypeStruct((G * C, K), jnp.float32),
            jax.ShapeDtypeStruct((G * C, K), jnp.int32),
        ],
        compiler_params=pltpu.CompilerParams(fuse_transposed_lhs_in_matmul=True),
    )(assignments, t)


def kernel(nodes, senders, receivers, n_node, n_edge, W1, b1, W2, b2):
    del n_node, n_edge
    assignments, apack, coarse_nodes, recv_q = _stage1(
        nodes, W1, b1.reshape(1, HID), W2, b2.reshape(1, C), receivers)
    zeros = jnp.zeros((SRW, C), jnp.float32)
    t = _stage2(apack.reshape(N, C), senders, recv_q, zeros)
    top_vals, top_idx = _stage3(assignments, t)
    batch_offset = jnp.arange(G, dtype=jnp.int32)[:, None] * C
    c_senders = (jnp.repeat(jnp.arange(C, dtype=jnp.int32), K)[None, :]
                 + batch_offset).reshape(-1)
    c_receivers = (top_idx.reshape(G, C * K) + batch_offset).reshape(-1)
    c_edge_weights = top_vals.reshape(-1, 1)
    return (coarse_nodes, c_senders, c_receivers, c_edge_weights,
            assignments)

# --- scband reference (transcript-rebuilt; emitter-appended) ---
"""Pipeline reference for scband-iterative-decimator-61246233640985 (READ-ONLY COPY).

The authoritative reference and input builder live on the scoring server;
editing this copy changes nothing except your own understanding.
"""

import jax, jax.numpy as jnp
import numpy as np

N = 10000
G = 8
NPG = N // G
E = 320000
EPG = E // G
D = 128
C = 64
K = 16
HID = 32


def setup_inputs(seed: int = 0) -> dict:
    key = jax.random.key(seed)
    ks = jax.random.split(key, 8)
    nodes = jax.random.normal(ks[0], (N, D), dtype=jnp.float32)
    # boundary-respecting edges: each graph g owns nodes [g*NPG, (g+1)*NPG)
    s_local = jax.random.randint(ks[1], (G, EPG), 0, NPG)
    r_local = jax.random.randint(ks[2], (G, EPG), 0, NPG)
    offs = (jnp.arange(G) * NPG)[:, None]
    senders = (s_local + offs).reshape(-1).astype(jnp.int32)
    receivers = (r_local + offs).reshape(-1).astype(jnp.int32)
    n_node = jnp.full((G,), NPG, dtype=jnp.int32)
    n_edge = jnp.full((G,), EPG, dtype=jnp.int32)
    # MLP([32, num_clusters]) params
    W1 = jax.random.normal(ks[3], (D, HID), dtype=jnp.float32) * (1.0 / np.sqrt(D))
    b1 = jnp.zeros((HID,), dtype=jnp.float32)
    W2 = jax.random.normal(ks[4], (HID, C), dtype=jnp.float32) * (1.0 / np.sqrt(HID))
    b2 = jnp.zeros((C,), dtype=jnp.float32)
    return {"nodes": nodes, "senders": senders, "receivers": receivers,
            "n_node": n_node, "n_edge": n_edge,
            "W1": W1, "b1": b1, "W2": W2, "b2": b2}


def reference(nodes, senders, receivers, n_node, n_edge, W1, b1, W2, b2):
    num_nodes = nodes.shape[0]
    num_edges = senders.shape[0]
    num_graphs = n_node.shape[0]
    # assignment MLP: Dense(32) -> relu -> Dense(num_clusters)
    h = jnp.dot(nodes, W1) + b1
    h = jax.nn.relu(h)
    assignment_logits = jnp.dot(h, W2) + b2
    assignments = jax.nn.softmax(assignment_logits, axis=-1)
    batch_indices = jnp.repeat(jnp.arange(num_graphs), n_node, total_repeat_length=num_nodes)
    coarse_nodes = []
    for k in range(C):
        weighted_nodes = nodes * assignments[:, k:k + 1]
        coarse_nodes_k = jax.ops.segment_sum(weighted_nodes, batch_indices, num_segments=num_graphs)
        coarse_nodes.append(coarse_nodes_k)
    coarse_nodes = jnp.stack(coarse_nodes, axis=1).reshape(-1, nodes.shape[-1])
    s_senders = assignments[senders]
    s_receivers = assignments[receivers]
    edge_batch_indices = jnp.repeat(jnp.arange(num_graphs), n_edge, total_repeat_length=num_edges)

    def scan_body(carry, k):
        sender_k = jnp.take(s_senders, k, axis=1)[:, None]
        contributions_k = sender_k * s_receivers
        row_k = jax.ops.segment_sum(contributions_k, edge_batch_indices, num_segments=num_graphs)
        return (carry, row_k)

    _, coarse_adj_rows = jax.lax.scan(scan_body, None, jnp.arange(C))
    coarse_adj_dense = jnp.transpose(coarse_adj_rows, (1, 0, 2))  # [G, C, C]
    k = min(K, C)
    top_vals, top_indices = jax.lax.top_k(coarse_adj_dense, k)
    single_fc_senders = jnp.repeat(jnp.arange(C), k)
    single_fc_receivers = top_indices.reshape(num_graphs, -1)
    batch_offset = jnp.arange(num_graphs)[:, None] * C
    c_senders = (single_fc_senders[None, :] + batch_offset).reshape(-1)
    c_receivers = (single_fc_receivers + batch_offset).reshape(-1)
    c_edge_weights = top_vals.reshape(-1, 1)
    return (coarse_nodes, c_senders, c_receivers, c_edge_weights, assignments)

if __name__ == "__main__":
    import jax
    _d = setup_inputs()
    print(jax.jit(kernel)(*tuple(_d.values())))

</pallas_src>

<mosaic_0001>
#map = affine_map<(d0, d1) -> (0, 0)>
#map1 = affine_map<(d0, d1) -> (0)>
#map2 = affine_map<(d0, d1) -> (0, 0, 0)>
module attributes {stable_mosaic.version = 14 : i64} {
  func.func @_edge_body(%arg0: i32, %arg1: i32, %arg2: memref<10000x64xf32, #tpu.memory_space<hbm>>, %arg3: memref<320000xi32, #tpu.memory_space<hbm>>, %arg4: memref<320000xi32, #tpu.memory_space<hbm>>, %arg5: memref<624x64xf32, #tpu.memory_space<hbm>>, %arg6: memref<2x10000x128xf32, #tpu.memory_space<hbm>>, %arg7: memref<10000xi32, #tpu.memory_space<vmem>>, %arg8: memref<10000xi32, #tpu.memory_space<vmem>>, %arg9: memref<80xi32, #tpu.memory_space<vmem>>, %arg10: memref<80xi32, #tpu.memory_space<vmem>>, %arg11: memref<80xi32, #tpu.memory_space<vmem>>, %arg12: memref<80xi32, #tpu.memory_space<vmem>>, %arg13: memref<80xi32, #tpu.memory_space<vmem>>, %arg14: memref<5x80x64xf32, #tpu.memory_space<vmem>>, %arg15: memref<10000x64xf32, #tpu.memory_space<vmem_shared>>, %arg16: memref<5x!tpu.dma_semaphore, #tpu.memory_space<semaphore_mem>>, %arg17: memref<5x!tpu.dma_semaphore, #tpu.memory_space<semaphore_mem>>) attributes {dimension_semantics = [#tpu.dimension_semantics<core_parallel>, #tpu.dimension_semantics<subcore_parallel>], iteration_bounds = array<i64: 2, 16>, scalar_prefetch = 0 : i64, scratch_operands = 11 : i64, tpu.core_type = #tpu.core_type<sc_vector_subcore>, window_params = [{transform_indices = #map}, {transform_indices = #map1}, {transform_indices = #map1}, {transform_indices = #map}, {transform_indices = #map2}]} {
    %mul3A = arith.constant 2 : i32
    %mul3A_0 = arith.muli %arg1, %mul3A : i32
    %add3A = arith.addi %mul3A_0, %arg0 : i32
    %mul3A_1 = arith.constant 10000 : i32
    %mul3A_2 = arith.muli %add3A, %mul3A_1 : i32
    "tpu.region"() ({
      %run_scoped3A = tpu.sem_alloc : memref<!tpu.dma_semaphore, #tpu.memory_space<semaphore_mem>>
      %dma_start3A_84 = tpu.memref_slice %arg4[%mul3A_2] : memref<320000xi32, #tpu.memory_space<hbm>> -> memref<10000xi32, #tpu.memory_space<hbm>>
      %dma_start3A_85 = tpu.memref_slice %arg4[%mul3A_2] : memref<320000xi32, #tpu.memory_space<hbm>> -> memref<10000xi32, #tpu.memory_space<hbm>>
      tpu.enqueue_dma source(%dma_start3A_85 : memref<10000xi32, #tpu.memory_space<hbm>>) target(%arg8 : memref<10000xi32, #tpu.memory_space<vmem>>) target_semaphore(%run_scoped3A : memref<!tpu.dma_semaphore, #tpu.memory_space<semaphore_mem>>)
      %dma_wait3A = tpu.memref_slice %arg4[%mul3A_2] : memref<320000xi32, #tpu.memory_space<hbm>> -> memref<10000xi32, #tpu.memory_space<hbm>>
      %dma_wait3A_86 = tpu.memref_slice %arg4[%mul3A_2] : memref<320000xi32, #tpu.memory_space<hbm>> -> memref<10000xi32, #tpu.memory_space<hbm>>
      tpu.wait_dma2 semaphore(%run_scoped3A : memref<!tpu.dma_semaphore, #tpu.memory_space<semaphore_mem>>) src(%dma_wait3A_86 : memref<10000xi32, #tpu.memory_space<hbm>>) dst(%arg8 : memref<10000xi32, #tpu.memory_space<vmem>>)
      tpu.yield
    }) : () -> ()
    %dma_start3A = arith.constant 0 : i32
    %dma_start3A_3 = arith.constant 0 : i32
    %dma_start3A_4 = arith.constant 0 : i32
    %dma_start3A_5 = arith.constant 0 : i32
    %dma_start3A_6 = tpu.memref_slice %arg14[%dma_start3A, %dma_start3A_4, %dma_start3A_5] : memref<5x80x64xf32, #tpu.memory_space<vmem>> -> memref<1x80x64xf32, #tpu.memory_space<vmem>>
    %dma_start3A_7 = tpu.memref_squeeze %dma_start3A_6 : memref<1x80x64xf32, #tpu.memory_space<vmem>> -> memref<80x64xf32, #tpu.memory_space<vmem>>
    %dma_start3A_8 = arith.constant 0 : i32
    %dma_start3A_9 = tpu.memref_slice %arg8[%dma_start3A_8] : memref<10000xi32, #tpu.memory_space<vmem>> -> memref<80xi32, #tpu.memory_space<vmem>>
    %dma_start3A_10 = arith.constant 0 : i32
    %dma_start3A_11 = arith.constant 0 : i32
    %dma_start3A_12 = tpu.memref_slice %arg2[%dma_start3A_10, %dma_start3A_11] : memref<10000x64xf32, #tpu.memory_space<hbm>> -> memref<10000x64xf32, #tpu.memory_space<hbm>>
    %dma_start3A_13 = tpu.memref_slice %arg16[%dma_start3A_3] : memref<5x!tpu.dma_semaphore, #tpu.memory_space<semaphore_mem>> -> memref<1x!tpu.dma_semaphore, #tpu.memory_space<semaphore_mem>>
    %dma_start3A_14 = tpu.memref_squeeze %dma_start3A_13 : memref<1x!tpu.dma_semaphore, #tpu.memory_space<semaphore_mem>> -> memref<!tpu.dma_semaphore, #tpu.memory_space<semaphore_mem>>
    tpu.enqueue_indirect_dma source(%dma_start3A_12 : memref<10000x64xf32, #tpu.memory_space<hbm>>) target(%dma_start3A_7 : memref<80x64xf32, #tpu.memory_space<vmem>>) offsets(%dma_start3A_9 : memref<80xi32, #tpu.memory_space<vmem>>) semaphore(%dma_start3A_14 : memref<!tpu.dma_semaphore, #tpu.memory_space<semaphore_mem>>)
    %dma_start3A_15 = arith.constant 1 : i32
    %dma_start3A_16 = arith.constant 1 : i32
    %dma_start3A_17 = arith.constant 0 : i32
    %dma_start3A_18 = arith.constant 0 : i32
    %dma_start3A_19 = tpu.memref_slice %arg14[%dma_start3A_15, %dma_start3A_17, %dma_start3A_18] : memref<5x80x64xf32, #tpu.memory_space<vmem>> -> memref<1x80x64xf32, #tpu.memory_space<vmem>>
    %dma_start3A_20 = tpu.memref_squeeze %dma_start3A_19 : memref<1x80x64xf32, #tpu.memory_space<vmem>> -> memref<80x64xf32, #tpu.memory_space<vmem>>
    %dma_start3A_21 = arith.constant 80 : i32
    %dma_start3A_22 = tpu.memref_slice %arg8[%dma_start3A_21] : memref<10000xi32, #tpu.memory_space<vmem>> -> memref<80xi32, #tpu.memory_space<vmem>>
    %dma_start3A_23 = arith.constant 0 : i32
    %dma_start3A_24 = arith.constant 0 : i32
    %dma_start3A_25 = tpu.memref_slice %arg2[%dma_start3A_23, %dma_start3A_24] : memref<10000x64xf32, #tpu.memory_space<hbm>> -> memref<10000x64xf32, #tpu.memory_space<hbm>>
    %dma_start3A_26 = tpu.memref_slice %arg16[%dma_start3A_16] : memref<5x!tpu.dma_semaphore, #tpu.memory_space<semaphore_mem>> -> memref<1x!tpu.dma_semaphore, #tpu.memory_space<semaphore_mem>>
    %dma_start3A_27 = tpu.memref_squeeze %dma_start3A_26 : memref<1x!tpu.dma_semaphore, #tpu.memory_space<semaphore_mem>> -> memref<!tpu.dma_semaphore, #tpu.memory_space<semaphore_mem>>
    tpu.enqueue_indirect_dma source(%dma_start3A_25 : memref<10000x64xf32, #tpu.memory_space<hbm>>) target(%dma_start3A_20 : memref<80x64xf32, #tpu.memory_space<vmem>>) offsets(%dma_start3A_22 : memref<80xi32, #tpu.memory_space<vmem>>) semaphore(%dma_start3A_27 : memref<!tpu.dma_semaphore, #tpu.memory_space<semaphore_mem>>)
    %dma_start3A_28 = arith.constant 2 : i32
    %dma_start3A_29 = arith.constant 2 : i32
    %dma_start3A_30 = arith.constant 0 : i32
    %dma_start3A_31 = arith.constant 0 : i32
    %dma_start3A_32 = tpu.memref_slice %arg14[%dma_start3A_28, %dma_start3A_30, %dma_start3A_31] : memref<5x80x64xf32, #tpu.memory_space<vmem>> -> memref<1x80x64xf32, #tpu.memory_space<vmem>>
    %dma_start3A_33 = tpu.memref_squeeze %dma_start3A_32 : memref<1x80x64xf32, #tpu.memory_space<vmem>> -> memref<80x64xf32, #tpu.memory_space<vmem>>
    %dma_start3A_34 = arith.constant 160 : i32
    %dma_start3A_35 = tpu.memref_slice %arg8[%dma_start3A_34] : memref<10000xi32, #tpu.memory_space<vmem>> -> memref<80xi32, #tpu.memory_space<vmem>>
    %dma_start3A_36 = arith.constant 0 : i32
    %dma_start3A_37 = arith.constant 0 : i32
    %dma_start3A_38 = tpu.memref_slice %arg2[%dma_start3A_36, %dma_start3A_37] : memref<10000x64xf32, #tpu.memory_space<hbm>> -> memref<10000x64xf32, #tpu.memory_space<hbm>>
    %dma_start3A_39 = tpu.memref_slice %arg16[%dma_start3A_29] : memref<5x!tpu.dma_semaphore, #tpu.memory_space<semaphore_mem>> -> memref<1x!tpu.dma_semaphore, #tpu.memory_space<semaphore_mem>>
    %dma_start3A_40 = tpu.memref_squeeze %dma_start3A_39 : memref<1x!tpu.dma_semaphore, #tpu.memory_space<semaphore_mem>> -> memref<!tpu.dma_semaphore, #tpu.memory_space<semaphore_mem>>
    tpu.enqueue_indirect_dma source(%dma_start3A_38 : memref<10000x64xf32, #tpu.memory_space<hbm>>) target(%dma_start3A_33 : memref<80x64xf32, #tpu.memory_space<vmem>>) offsets(%dma_start3A_35 : memref<80xi32, #tpu.memory_space<vmem>>) semaphore(%dma_start3A_40 : memref<!tpu.dma_semaphore, #tpu.memory_space<semaphore_mem>>)
    %dma_start3A_41 = arith.constant 3 : i32
    %dma_start3A_42 = arith.constant 3 : i32
    %dma_start3A_43 = arith.constant 0 : i32
    %dma_start3A_44 = arith.constant 0 : i32
    %dma_start3A_45 = tpu.memref_slice %arg14[%dma_start3A_41, %dma_start3A_43, %dma_start3A_44] : memref<5x80x64xf32, #tpu.memory_space<vmem>> -> memref<1x80x64xf32, #tpu.memory_space<vmem>>
    %dma_start3A_46 = tpu.memref_squeeze %dma_start3A_45 : memref<1x80x64xf32, #tpu.memory_space<vmem>> -> memref<80x64xf32, #tpu.memory_space<vmem>>
    %dma_start3A_47 = arith.constant 240 : i32
    %dma_start3A_48 = tpu.memref_slice %arg8[%dma_start3A_47] : memref<10000xi32, #tpu.memory_space<vmem>> -> memref<80xi32, #tpu.memory_space<vmem>>
    %dma_start3A_49 = arith.constant 0 : i32
    %dma_start3A_50 = arith.constant 0 : i32
    %dma_start3A_51 = tpu.memref_slice %arg2[%dma_start3A_49, %dma_start3A_50] : memref<10000x64xf32, #tpu.memory_space<hbm>> -> memref<10000x64xf32, #tpu.memory_space<hbm>>
    %dma_start3A_52 = tpu.memref_slice %arg16[%dma_start3A_42] : memref<5x!tpu.dma_semaphore, #tpu.memory_space<semaphore_mem>> -> memref<1x!tpu.dma_semaphore, #tpu.memory_space<semaphore_mem>>
    %dma_start3A_53 = tpu.memref_squeeze %dma_start3A_52 : memref<1x!tpu.dma_semaphore, #tpu.memory_space<semaphore_mem>> -> memref<!tpu.dma_semaphore, #tpu.memory_space<semaphore_mem>>
    tpu.enqueue_indirect_dma source(%dma_start3A_51 : memref<10000x64xf32, #tpu.memory_space<hbm>>) target(%dma_start3A_46 : memref<80x64xf32, #tpu.memory_space<vmem>>) offsets(%dma_start3A_48 : memref<80xi32, #tpu.memory_space<vmem>>) semaphore(%dma_start3A_53 : memref<!tpu.dma_semaphore, #tpu.memory_space<semaphore_mem>>)
    %dma_start3A_54 = arith.constant 4 : i32
    %dma_start3A_55 = arith.constant 4 : i32
    %dma_start3A_56 = arith.constant 0 : i32
    %dma_start3A_57 = arith.constant 0 : i32
    %dma_start3A_58 = tpu.memref_slice %arg14[%dma_start3A_54, %dma_start3A_56, %dma_start3A_57] : memref<5x80x64xf32, #tpu.memory_space<vmem>> -> memref<1x80x64xf32, #tpu.memory_space<vmem>>
    %dma_start3A_59 = tpu.memref_squeeze %dma_start3A_58 : memref<1x80x64xf32, #tpu.memory_space<vmem>> -> memref<80x64xf32, #tpu.memory_space<vmem>>
    %dma_start3A_60 = arith.constant 320 : i32
    %dma_start3A_61 = tpu.memref_slice %arg8[%dma_start3A_60] : memref<10000xi32, #tpu.memory_space<vmem>> -> memref<80xi32, #tpu.memory_space<vmem>>
    %dma_start3A_62 = arith.constant 0 : i32
    %dma_start3A_63 = arith.constant 0 : i32
    %dma_start3A_64 = tpu.memref_slice %arg2[%dma_start3A_62, %dma_start3A_63] : memref<10000x64xf32, #tpu.memory_space<hbm>> -> memref<10000x64xf32, #tpu.memory_space<hbm>>
    %dma_start3A_65 = tpu.memref_slice %arg16[%dma_start3A_55] : memref<5x!tpu.dma_semaphore, #tpu.memory_space<semaphore_mem>> -> memref<1x!tpu.dma_semaphore, #tpu.memory_space<semaphore_mem>>
    %dma_start3A_66 = tpu.memref_squeeze %dma_start3A_65 : memref<1x!tpu.dma_semaphore, #tpu.memory_space<semaphore_mem>> -> memref<!tpu.dma_semaphore, #tpu.memory_space<semaphore_mem>>
    tpu.enqueue_indirect_dma source(%dma_start3A_64 : memref<10000x64xf32, #tpu.memory_space<hbm>>) target(%dma_start3A_59 : memref<80x64xf32, #tpu.memory_space<vmem>>) offsets(%dma_start3A_61 : memref<80xi32, #tpu.memory_space<vmem>>) semaphore(%dma_start3A_66 : memref<!tpu.dma_semaphore, #tpu.memory_space<semaphore_mem>>)
    %mul3A_67 = arith.constant 10000 : i32
    %mul3A_68 = arith.muli %add3A, %mul3A_67 : i32
    "tpu.region"() ({
      %run_scoped3A = tpu.sem_alloc : memref<!tpu.dma_semaphore, #tpu.memory_space<semaphore_mem>>
      %dma_start3A_84 = tpu.memref_slice %arg3[%mul3A_68] : memref<320000xi32, #tpu.memory_space<hbm>> -> memref<10000xi32, #tpu.memory_space<hbm>>
      %dma_start3A_85 = tpu.memref_slice %arg3[%mul3A_68] : memref<320000xi32, #tpu.memory_space<hbm>> -> memref<10000xi32, #tpu.memory_space<hbm>>
      tpu.enqueue_dma source(%dma_start3A_85 : memref<10000xi32, #tpu.memory_space<hbm>>) target(%arg7 : memref<10000xi32, #tpu.memory_space<vmem>>) target_semaphore(%run_scoped3A : memref<!tpu.dma_semaphore, #tpu.memory_space<semaphore_mem>>)
      %dma_wait3A = tpu.memref_slice %arg3[%mul3A_68] : memref<320000xi32, #tpu.memory_space<hbm>> -> memref<10000xi32, #tpu.memory_space<hbm>>
      %dma_wait3A_86 = tpu.memref_slice %arg3[%mul3A_68] : memref<320000xi32, #tpu.memory_space<hbm>> -> memref<10000xi32, #tpu.memory_space<hbm>>
      tpu.wait_dma2 semaphore(%run_scoped3A : memref<!tpu.dma_semaphore, #tpu.memory_space<semaphore_mem>>) src(%dma_wait3A_86 : memref<10000xi32, #tpu.memory_space<hbm>>) dst(%arg7 : memref<10000xi32, #tpu.memory_space<vmem>>)
      tpu.yield
    }) : () -> ()
    %mul3A_69 = arith.constant 624 : i32
    %mul3A_70 = arith.muli %arg1, %mul3A_69 : i32
    %multiple_of3A = tpu.assume_multiple %mul3A_70, 8 : i32
    "tpu.region"() ({
      %run_scoped3A = tpu.sem_alloc : memref<!tpu.dma_semaphore, #tpu.memory_space<semaphore_mem>>
      %dma_start3A_84 = arith.constant 0 : i32
      %dma_start3A_85 = tpu.memref_slice %arg15[%multiple_of3A, %dma_start3A_84] : memref<10000x64xf32, #tpu.memory_space<vmem_shared>> -> memref<624x64xf32, #tpu.memory_space<vmem_shared>>
      tpu.enqueue_dma source(%arg5 : memref<624x64xf32, #tpu.memory_space<hbm>>) target(%dma_start3A_85 : memref<624x64xf32, #tpu.memory_space<vmem_shared>>) target_semaphore(%run_scoped3A : memref<!tpu.dma_semaphore, #tpu.memory_space<semaphore_mem>>)
      %dma_wait3A = arith.constant 0 : i32
      %dma_wait3A_86 = tpu.memref_slice %arg15[%multiple_of3A, %dma_wait3A] : memref<10000x64xf32, #tpu.memory_space<vmem_shared>> -> memref<624x64xf32, #tpu.memory_space<vmem_shared>>
      tpu.wait_dma2 semaphore(%run_scoped3A : memref<!tpu.dma_semaphore, #tpu.memory_space<semaphore_mem>>) src(%arg5 : memref<624x64xf32, #tpu.memory_space<hbm>>) dst(%dma_wait3A_86 : memref<624x64xf32, #tpu.memory_space<vmem_shared>>)
      tpu.yield
    }) : () -> ()
    %eq3A = arith.constant 15 : i32
    %eq3A_71 = arith.cmpi eq, %arg1, %eq3A : i32
    %convert_element_type3A = arith.extui %eq3A_71 : i1 to i32
    %cond3A = arith.constant 0 : i32
    %cond3A_72 = arith.cmpi ne, %convert_element_type3A, %cond3A : i32
    scf.if %cond3A_72 {
      "tpu.region"() ({
        %run_scoped3A = tpu.sem_alloc : memref<!tpu.dma_semaphore, #tpu.memory_space<semaphore_mem>>
        %dma_start3A_84 = arith.constant 9984 : i32
        %dma_start3A_85 = arith.constant 0 : i32
        %dma_start3A_86 = tpu.memref_slice %arg15[%dma_start3A_84, %dma_start3A_85] : memref<10000x64xf32, #tpu.memory_space<vmem_shared>> -> memref<16x64xf32, #tpu.memory_space<vmem_shared>>
        %dma_start3A_87 = arith.constant 0 : i32
        %dma_start3A_88 = arith.constant 0 : i32
        %dma_start3A_89 = tpu.memref_slice %arg5[%dma_start3A_87, %dma_start3A_88] : memref<624x64xf32, #tpu.memory_space<hbm>> -> memref<16x64xf32, #tpu.memory_space<hbm>>
        tpu.enqueue_dma source(%dma_start3A_89 : memref<16x64xf32, #tpu.memory_space<hbm>>) target(%dma_start3A_86 : memref<16x64xf32, #tpu.memory_space<vmem_shared>>) target_semaphore(%run_scoped3A : memref<!tpu.dma_semaphore, #tpu.memory_space<semaphore_mem>>)
        %dma_wait3A = arith.constant 9984 : i32
        %dma_wait3A_90 = arith.constant 0 : i32
        %dma_wait3A_91 = tpu.memref_slice %arg15[%dma_wait3A, %dma_wait3A_90] : memref<10000x64xf32, #tpu.memory_space<vmem_shared>> -> memref<16x64xf32, #tpu.memory_space<vmem_shared>>
        %dma_wait3A_92 = arith.constant 0 : i32
        %dma_wait3A_93 = arith.constant 0 : i32
        %dma_wait3A_94 = tpu.memref_slice %arg5[%dma_wait3A_92, %dma_wait3A_93] : memref<624x64xf32, #tpu.memory_space<hbm>> -> memref<16x64xf32, #tpu.memory_space<hbm>>
        tpu.wait_dma2 semaphore(%run_scoped3A : memref<!tpu.dma_semaphore, #tpu.memory_space<semaphore_mem>>) src(%dma_wait3A_94 : memref<16x64xf32, #tpu.memory_space<hbm>>) dst(%dma_wait3A_91 : memref<16x64xf32, #tpu.memory_space<vmem_shared>>)
        tpu.yield
      }) : () -> ()
    } else {
    }
    %barrier3A = arith.constant 0 : index
    tpu.barrier barrier_id(%barrier3A)
    %scan3A = arith.constant 0 : i32
    %scan3A_73 = arith.constant 0 : i32
    %scan3A_74 = arith.constant 25 : i32
    %scan3A_75 = arith.addi %scan3A_73, %scan3A_74 : i32
    %scan3A_76 = arith.constant 1 : i32
    scf.for %scan3A_84 = %scan3A_73 to %scan3A_75 step %scan3A_76  : i32 {
      %mul3A_85 = arith.constant 5 : i32
      %mul3A_86 = arith.muli %scan3A_84, %mul3A_85 : i32
      %add3A_87 = arith.constant 0 : i32
      %add3A_88 = arith.addi %mul3A_86, %add3A_87 : i32
      %dma_wait3A = arith.constant 0 : i32
      %dma_wait3A_89 = arith.constant 0 : i32
      %dma_wait3A_90 = arith.constant 0 : i32
      %dma_wait3A_91 = arith.constant 0 : i32
      %dma_wait3A_92 = tpu.memref_slice %arg14[%dma_wait3A, %dma_wait3A_90, %dma_wait3A_91] : memref<5x80x64xf32, #tpu.memory_space<vmem>> -> memref<1x80x64xf32, #tpu.memory_space<vmem>>
      %dma_wait3A_93 = tpu.memref_squeeze %dma_wait3A_92 : memref<1x80x64xf32, #tpu.memory_space<vmem>> -> memref<80x64xf32, #tpu.memory_space<vmem>>
      %dma_wait3A_94 = arith.constant 0 : i32
      %dma_wait3A_95 = tpu.memref_slice %arg8[%dma_wait3A_94] : memref<10000xi32, #tpu.memory_space<vmem>> -> memref<80xi32, #tpu.memory_space<vmem>>
      %dma_wait3A_96 = arith.constant 0 : i32
      %dma_wait3A_97 = arith.constant 0 : i32
      %dma_wait3A_98 = tpu.memref_slice %arg2[%dma_wait3A_96, %dma_wait3A_97] : memref<10000x64xf32, #tpu.memory_space<hbm>> -> memref<10000x64xf32, #tpu.memory_space<hbm>>
      %dma_wait3A_99 = tpu.memref_slice %arg16[%dma_wait3A_89] : memref<5x!tpu.dma_semaphore, #tpu.memory_space<semaphore_mem>> -> memref<1x!tpu.dma_semaphore, #tpu.memory_space<semaphore_mem>>
      %dma_wait3A_100 = tpu.memref_squeeze %dma_wait3A_99 : memref<1x!tpu.dma_semaphore, #tpu.memory_space<semaphore_mem>> -> memref<!tpu.dma_semaphore, #tpu.memory_space<semaphore_mem>>
      tpu.wait_indirect_dma semaphore(%dma_wait3A_100 : memref<!tpu.dma_semaphore, #tpu.memory_space<semaphore_mem>>) src(%dma_wait3A_98 : memref<10000x64xf32, #tpu.memory_space<hbm>>) dst(%dma_wait3A_93 : memref<80x64xf32, #tpu.memory_space<vmem>>)
      %mul3A_101 = arith.constant 80 : i32
      %mul3A_102 = arith.muli %add3A_88, %mul3A_101 : i32
      %add3A_103 = arith.constant 0 : i32
      %add3A_104 = arith.addi %mul3A_102, %add3A_103 : i32
      %get3A = arith.index_cast %add3A_104 : i32 to index
      %get3A_105 = tpu.vector_load %arg7[%get3A] {strides = array<i32>} : memref<10000xi32, #tpu.memory_space<vmem>>, vector<16xi32>,
      %get3A_106 = vector.shape_cast %get3A_105 : vector<16xi32> to vector<16xi32>
      %swap3A = arith.constant 0 : index
      %swap3A_107 = tpu.vector_load %arg9[%swap3A] {strides = array<i32>} : memref<80xi32, #tpu.memory_space<vmem>>, vector<16xi32>,
      %swap3A_108 = vector.shape_cast %swap3A_107 : vector<16xi32> to vector<16xi32>
      %swap3A_109 = vector.shape_cast %get3A_106 : vector<16xi32> to vector<16xi32>
      tpu.vector_store %arg9[%swap3A], %swap3A_109 {strides = array<i32>} : memref<80xi32, #tpu.memory_space<vmem>>, vector<16xi32>,
      %mul3A_110 = arith.constant 80 : i32
      %mul3A_111 = arith.muli %add3A_88, %mul3A_110 : i32
      %add3A_112 = arith.constant 16 : i32
      %add3A_113 = arith.addi %mul3A_111, %add3A_112 : i32
      %get3A_114 = arith.index_cast %add3A_113 : i32 to index
      %get3A_115 = tpu.vector_load %arg7[%get3A_114] {strides = array<i32>} : memref<10000xi32, #tpu.memory_space<vmem>>, vector<16xi32>,
      %get3A_116 = vector.shape_cast %get3A_115 : vector<16xi32> to vector<16xi32>
      %swap3A_117 = arith.constant 16 : index
      %swap3A_118 = tpu.vector_load %arg9[%swap3A_117] {strides = array<i32>} : memref<80xi32, #tpu.memory_space<vmem>>, vector<16xi32>,
      %swap3A_119 = vector.shape_cast %swap3A_118 : vector<16xi32> to vector<16xi32>
      %swap3A_120 = vector.shape_cast %get3A_116 : vector<16xi32> to vector<16xi32>
      tpu.vector_store %arg9[%swap3A_117], %swap3A_120 {strides = array<i32>} : memref<80xi32, #tpu.memory_space<vmem>>, vector<16xi32>,
      %mul3A_121 = arith.constant 80 : i32
      %mul3A_122 = arith.muli %add3A_88, %mul3A_121 : i32
      %add3A_123 = arith.constant 32 : i32
      %add3A_124 = arith.addi %mul3A_122, %add3A_123 : i32
      %get3A_125 = arith.index_cast %add3A_124 : i32 to index
      %get3A_126 = tpu.vector_load %arg7[%get3A_125] {strides = array<i32>} : memref<10000xi32, #tpu.memory_space<vmem>>, vector<16xi32>,
      %get3A_127 = vector.shape_cast %get3A_126 : vector<16xi32> to vector<16xi32>
      %swap3A_128 = arith.constant 32 : index
      %swap3A_129 = tpu.vector_load %arg9[%swap3A_128] {strides = array<i32>} : memref<80xi32, #tpu.memory_space<vmem>>, vector<16xi32>,
      %swap3A_130 = vector.shape_cast %swap3A_129 : vector<16xi32> to vector<16xi32>
      %swap3A_131 = vector.shape_cast %get3A_127 : vector<16xi32> to vector<16xi32>
      tpu.vector_store %arg9[%swap3A_128], %swap3A_131 {strides = array<i32>} : memref<80xi32, #tpu.memory_space<vmem>>, vector<16xi32>,
      %mul3A_132 = arith.constant 80 : i32
      %mul3A_133 = arith.muli %add3A_88, %mul3A_132 : i32
      %add3A_134 = arith.constant 48 : i32
      %add3A_135 = arith.addi %mul3A_133, %add3A_134 : i32
      %get3A_136 = arith.index_cast %add3A_135 : i32 to index
      %get3A_137 = tpu.vector_load %arg7[%get3A_136] {strides = array<i32>} : memref<10000xi32, #tpu.memory_space<vmem>>, vector<16xi32>,
      %get3A_138 = vector.shape_cast %get3A_137 : vector<16xi32> to vector<16xi32>
      %swap3A_139 = arith.constant 48 : index
      %swap3A_140 = tpu.vector_load %arg9[%swap3A_139] {strides = array<i32>} : memref<80xi32, #tpu.memory_space<vmem>>, vector<16xi32>,
      %swap3A_141 = vector.shape_cast %swap3A_140 : vector<16xi32> to vector<16xi32>
      %swap3A_142 = vector.shape_cast %get3A_138 : vector<16xi32> to vector<16xi32>
      tpu.vector_store %arg9[%swap3A_139], %swap3A_142 {strides = array<i32>} : memref<80xi32, #tpu.memory_space<vmem>>, vector<16xi32>,
      %mul3A_143 = arith.constant 80 : i32
      %mul3A_144 = arith.muli %add3A_88, %mul3A_143 : i32
      %add3A_145 = arith.constant 64 : i32
      %add3A_146 = arith.addi %mul3A_144, %add3A_145 : i32
      %get3A_147 = arith.index_cast %add3A_146 : i32 to index
      %get3A_148 = tpu.vector_load %arg7[%get3A_147] {strides = array<i32>} : memref<10000xi32, #tpu.memory_space<vmem>>, vector<16xi32>,
      %get3A_149 = vector.shape_cast %get3A_148 : vector<16xi32> to vector<16xi32>
      %swap3A_150 = arith.constant 64 : index
      %swap3A_151 = tpu.vector_load %arg9[%swap3A_150] {strides = array<i32>} : memref<80xi32, #tpu.memory_space<vmem>>, vector<16xi32>,
      %swap3A_152 = vector.shape_cast %swap3A_151 : vector<16xi32> to vector<16xi32>
      %swap3A_153 = vector.shape_cast %get3A_149 : vector<16xi32> to vector<16xi32>
      tpu.vector_store %arg9[%swap3A_150], %swap3A_153 {strides = array<i32>} : memref<80xi32, #tpu.memory_space<vmem>>, vector<16xi32>,
      %run_scoped3A = arith.constant 0 : i32
      "tpu.region"() ({
        %run_scoped3A_480 = tpu.sem_alloc : memref<!tpu.dma_semaphore, #tpu.memory_space<semaphore_mem>>
        %dma_start3A_481 = arith.constant 0 : i32
        %dma_start3A_482 = arith.constant 0 : i32
        %dma_start3A_483 = tpu.memref_slice %arg14[%run_scoped3A, %dma_start3A_481, %dma_start3A_482] : memref<5x80x64xf32, #tpu.memory_space<vmem>> -> memref<1x80x64xf32, #tpu.memory_space<vmem>>
        %dma_start3A_484 = tpu.memref_squeeze %dma_start3A_483 : memref<1x80x64xf32, #tpu.memory_space<vmem>> -> memref<80x64xf32, #tpu.memory_space<vmem>>
        %dma_start3A_485 = arith.constant 0 : i32
        %dma_start3A_486 = arith.constant 0 : i32
        %dma_start3A_487 = tpu.memref_slice %arg15[%dma_start3A_485, %dma_start3A_486] : memref<10000x64xf32, #tpu.memory_space<vmem_shared>> -> memref<10000x64xf32, #tpu.memory_space<vmem_shared>>
        tpu.enqueue_indirect_dma source(%dma_start3A_484 : memref<80x64xf32, #tpu.memory_space<vmem>>) target(%dma_start3A_487 : memref<10000x64xf32, #tpu.memory_space<vmem_shared>>) offsets(%arg9 : memref<80xi32, #tpu.memory_space<vmem>>) semaphore(%run_scoped3A_480 : memref<!tpu.dma_semaphore, #tpu.memory_space<semaphore_mem>>) {add = true}
        %dma_wait3A_488 = arith.constant 0 : i32
        %dma_wait3A_489 = arith.constant 0 : i32
        %dma_wait3A_490 = tpu.memref_slice %arg14[%run_scoped3A, %dma_wait3A_488, %dma_wait3A_489] : memref<5x80x64xf32, #tpu.memory_space<vmem>> -> memref<1x80x64xf32, #tpu.memory_space<vmem>>
        %dma_wait3A_491 = tpu.memref_squeeze %dma_wait3A_490 : memref<1x80x64xf32, #tpu.memory_space<vmem>> -> memref<80x64xf32, #tpu.memory_space<vmem>>
        %dma_wait3A_492 = arith.constant 0 : i32
        %dma_wait3A_493 = arith.constant 0 : i32
        %dma_wait3A_494 = tpu.memref_slice %arg15[%dma_wait3A_492, %dma_wait3A_493] : memref<10000x64xf32, #tpu.memory_space<vmem_shared>> -> memref<10000x64xf32, #tpu.memory_space<vmem_shared>>
        tpu.wait_indirect_dma semaphore(%run_scoped3A_480 : memref<!tpu.dma_semaphore, #tpu.memory_space<semaphore_mem>>) src(%dma_wait3A_491 : memref<80x64xf32, #tpu.memory_space<vmem>>) dst(%dma_wait3A_494 : memref<10000x64xf32, #tpu.memory_space<vmem_shared>>)
        tpu.yield
      }) : () -> ()
      %add3A_154 = arith.constant 5 : i32
      %add3A_155 = arith.addi %add3A_88, %add3A_154 : i32
      %lt3A = arith.constant 125 : i32
      %lt3A_156 = arith.cmpi slt, %add3A_155, %lt3A : i32
      %convert_element_type3A_157 = arith.extui %lt3A_156 : i1 to i32
      %cond3A_158 = arith.constant 0 : i32
      %cond3A_159 = arith.cmpi ne, %convert_element_type3A_157, %cond3A_158 : i32
      scf.if %cond3A_159 {
        %mul3A_480 = arith.constant 80 : i32
        %mul3A_481 = arith.muli %add3A_155, %mul3A_480 : i32
        %dma_start3A_482 = arith.constant 0 : i32
        %dma_start3A_483 = arith.constant 0 : i32
        %dma_start3A_484 = arith.constant 0 : i32
        %dma_start3A_485 = arith.constant 0 : i32
        %dma_start3A_486 = tpu.memref_slice %arg14[%dma_start3A_482, %dma_start3A_484, %dma_start3A_485] : memref<5x80x64xf32, #tpu.memory_space<vmem>> -> memref<1x80x64xf32, #tpu.memory_space<vmem>>
        %dma_start3A_487 = tpu.memref_squeeze %dma_start3A_486 : memref<1x80x64xf32, #tpu.memory_space<vmem>> -> memref<80x64xf32, #tpu.memory_space<vmem>>
        %dma_start3A_488 = tpu.memref_slice %arg8[%mul3A_481] : memref<10000xi32, #tpu.memory_space<vmem>> -> memref<80xi32, #tpu.memory_space<vmem>>
        %dma_start3A_489 = arith.constant 0 : i32
        %dma_start3A_490 = arith.constant 0 : i32
        %dma_start3A_491 = tpu.memref_slice %arg2[%dma_start3A_489, %dma_start3A_490] : memref<10000x64xf32, #tpu.memory_space<hbm>> -> memref<10000x64xf32, #tpu.memory_space<hbm>>
        %dma_start3A_492 = tpu.memref_slice %arg16[%dma_start3A_483] : memref<5x!tpu.dma_semaphore, #tpu.memory_space<semaphore_mem>> -> memref<1x!tpu.dma_semaphore, #tpu.memory_space<semaphore_mem>>
        %dma_start3A_493 = tpu.memref_squeeze %dma_start3A_492 : memref<1x!tpu.dma_semaphore, #tpu.memory_space<semaphore_mem>> -> memref<!tpu.dma_semaphore, #tpu.memory_space<semaphore_mem>>
        tpu.enqueue_indirect_dma source(%dma_start3A_491 : memref<10000x64xf32, #tpu.memory_space<hbm>>) target(%dma_start3A_487 : memref<80x64xf32, #tpu.memory_space<vmem>>) offsets(%dma_start3A_488 : memref<80xi32, #tpu.memory_space<vmem>>) semaphore(%dma_start3A_493 : memref<!tpu.dma_semaphore, #tpu.memory_space<semaphore_mem>>)
      } else {
      }
      %mul3A_160 = arith.constant 5 : i32
      %mul3A_161 = arith.muli %scan3A_84, %mul3A_160 : i32
      %add3A_162 = arith.constant 1 : i32
      %add3A_163 = arith.addi %mul3A_161, %add3A_162 : i32
      %dma_wait3A_164 = arith.constant 1 : i32
      %dma_wait3A_165 = arith.constant 1 : i32
      %dma_wait3A_166 = arith.constant 0 : i32
      %dma_wait3A_167 = arith.constant 0 : i32
      %dma_wait3A_168 = tpu.memref_slice %arg14[%dma_wait3A_164, %dma_wait3A_166, %dma_wait3A_167] : memref<5x80x64xf32, #tpu.memory_space<vmem>> -> memref<1x80x64xf32, #tpu.memory_space<vmem>>
      %dma_wait3A_169 = tpu.memref_squeeze %dma_wait3A_168 : memref<1x80x64xf32, #tpu.memory_space<vmem>> -> memref<80x64xf32, #tpu.memory_space<vmem>>
      %dma_wait3A_170 = arith.constant 80 : i32
      %dma_wait3A_171 = tpu.memref_slice %arg8[%dma_wait3A_170] : memref<10000xi32, #tpu.memory_space<vmem>> -> memref<80xi32, #tpu.memory_space<vmem>>
      %dma_wait3A_172 = arith.constant 0 : i32
      %dma_wait3A_173 = arith.constant 0 : i32
      %dma_wait3A_174 = tpu.memref_slice %arg2[%dma_wait3A_172, %dma_wait3A_173] : memref<10000x64xf32, #tpu.memory_space<hbm>> -> memref<10000x64xf32, #tpu.memory_space<hbm>>
      %dma_wait3A_175 = tpu.memref_slice %arg16[%dma_wait3A_165] : memref<5x!tpu.dma_semaphore, #tpu.memory_space<semaphore_mem>> -> memref<1x!tpu.dma_semaphore, #tpu.memory_space<semaphore_mem>>
      %dma_wait3A_176 = tpu.memref_squeeze %dma_wait3A_175 : memref<1x!tpu.dma_semaphore, #tpu.memory_space<semaphore_mem>> -> memref<!tpu.dma_semaphore, #tpu.memory_space<semaphore_mem>>
      tpu.wait_indirect_dma semaphore(%dma_wait3A_176 : memref<!tpu.dma_semaphore, #tpu.memory_space<semaphore_mem>>) src(%dma_wait3A_174 : memref<10000x64xf32, #tpu.memory_space<hbm>>) dst(%dma_wait3A_169 : memref<80x64xf32, #tpu.memory_space<vmem>>)
      %mul3A_177 = arith.constant 80 : i32
      %mul3A_178 = arith.muli %add3A_163, %mul3A_177 : i32
      %add3A_179 = arith.constant 0 : i32
      %add3A_180 = arith.addi %mul3A_178, %add3A_179 : i32
      %get3A_181 = arith.index_cast %add3A_180 : i32 to index
      %get3A_182 = tpu.vector_load %arg7[%get3A_181] {strides = array<i32>} : memref<10000xi32, #tpu.memory_space<vmem>>, vector<16xi32>,
      %get3A_183 = vector.shape_cast %get3A_182 : vector<16xi32> to vector<16xi32>
      %swap3A_184 = arith.constant 0 : index
      %swap3A_185 = tpu.vector_load %arg9[%swap3A_184] {strides = array<i32>} : memref<80xi32, #tpu.memory_space<vmem>>, vector<16xi32>,
      %swap3A_186 = vector.shape_cast %swap3A_185 : vector<16xi32> to vector<16xi32>
      %swap3A_187 = vector.shape_cast %get3A_183 : vector<16xi32> to vector<16xi32>
      tpu.vector_store %arg9[%swap3A_184], %swap3A_187 {strides = array<i32>} : memref<80xi32, #tpu.memory_space<vmem>>, vector<16xi32>,
      %mul3A_188 = arith.constant 80 : i32
      %mul3A_189 = arith.muli %add3A_163, %mul3A_188 : i32
      %add3A_190 = arith.constant 16 : i32
      %add3A_191 = arith.addi %mul3A_189, %add3A_190 : i32
      %get3A_192 = arith.index_cast %add3A_191 : i32 to index
      %get3A_193 = tpu.vector_load %arg7[%get3A_192] {strides = array<i32>} : memref<10000xi32, #tpu.memory_space<vmem>>, vector<16xi32>,
      %get3A_194 = vector.shape_cast %get3A_193 : vector<16xi32> to vector<16xi32>
      %swap3A_195 = arith.constant 16 : index
      %swap3A_196 = tpu.vector_load %arg9[%swap3A_195] {strides = array<i32>} : memref<80xi32, #tpu.memory_space<vmem>>, vector<16xi32>,
      %swap3A_197 = vector.shape_cast %swap3A_196 : vector<16xi32> to vector<16xi32>
      %swap3A_198 = vector.shape_cast %get3A_194 : vector<16xi32> to vector<16xi32>
      tpu.vector_store %arg9[%swap3A_195], %swap3A_198 {strides = array<i32>} : memref<80xi32, #tpu.memory_space<vmem>>, vector<16xi32>,
      %mul3A_199 = arith.constant 80 : i32
      %mul3A_200 = arith.muli %add3A_163, %mul3A_199 : i32
      %add3A_201 = arith.constant 32 : i32
      %add3A_202 = arith.addi %mul3A_200, %add3A_201 : i32
      %get3A_203 = arith.index_cast %add3A_202 : i32 to index
      %get3A_204 = tpu.vector_load %arg7[%get3A_203] {strides = array<i32>} : memref<10000xi32, #tpu.memory_space<vmem>>, vector<16xi32>,
      %get3A_205 = vector.shape_cast %get3A_204 : vector<16xi32> to vector<16xi32>
      %swap3A_206 = arith.constant 32 : index
      %swap3A_207 = tpu.vector_load %arg9[%swap3A_206] {strides = array<i32>} : memref<80xi32, #tpu.memory_space<vmem>>, vector<16xi32>,
      %swap3A_208 = vector.shape_cast %swap3A_207 : vector<16xi32> to vector<16xi32>
      %swap3A_209 = vector.shape_cast %get3A_205 : vector<16xi32> to vector<16xi32>
      tpu.vector_store %arg9[%swap3A_206], %swap3A_209 {strides = array<i32>} : memref<80xi32, #tpu.memory_space<vmem>>, vector<16xi32>,
      %mul3A_210 = arith.constant 80 : i32
      %mul3A_211 = arith.muli %add3A_163, %mul3A_210 : i32
      %add3A_212 = arith.constant 48 : i32
      %add3A_213 = arith.addi %mul3A_211, %add3A_212 : i32
      %get3A_214 = arith.index_cast %add3A_213 : i32 to index
      %get3A_215 = tpu.vector_load %arg7[%get3A_214] {strides = array<i32>} : memref<10000xi32, #tpu.memory_space<vmem>>, vector<16xi32>,
      %get3A_216 = vector.shape_cast %get3A_215 : vector<16xi32> to vector<16xi32>
      %swap3A_217 = arith.constant 48 : index
      %swap3A_218 = tpu.vector_load %arg9[%swap3A_217] {strides = array<i32>} : memref<80xi32, #tpu.memory_space<vmem>>, vector<16xi32>,
      %swap3A_219 = vector.shape_cast %swap3A_218 : vector<16xi32> to vector<16xi32>
      %swap3A_220 = vector.shape_cast %get3A_216 : vector<16xi32> to vector<16xi32>
      tpu.vector_store %arg9[%swap3A_217], %swap3A_220 {strides = array<i32>} : memref<80xi32, #tpu.memory_space<vmem>>, vector<16xi32>,
      %mul3A_221 = arith.constant 80 : i32
      %mul3A_222 = arith.muli %add3A_163, %mul3A_221 : i32
      %add3A_223 = arith.constant 64 : i32
      %add3A_224 = arith.addi %mul3A_222, %add3A_223 : i32
      %get3A_225 = arith.index_cast %add3A_224 : i32 to index
      %get3A_226 = tpu.vector_load %arg7[%get3A_225] {strides = array<i32>} : memref<10000xi32, #tpu.memory_space<vmem>>, vector<16xi32>,
      %get3A_227 = vector.shape_cast %get3A_226 : vector<16xi32> to vector<16xi32>
      %swap3A_228 = arith.constant 64 : index
      %swap3A_229 = tpu.vector_load %arg9[%swap3A_228] {strides = array<i32>} : memref<80xi32, #tpu.memory_space<vmem>>, vector<16xi32>,
      %swap3A_230 = vector.shape_cast %swap3A_229 : vector<16xi32> to vector<16xi32>
      %swap3A_231 = vector.shape_cast %get3A_227 : vector<16xi32> to vector<16xi32>
      tpu.vector_store %arg9[%swap3A_228], %swap3A_231 {strides = array<i32>} : memref<80xi32, #tpu.memory_space<vmem>>, vector<16xi32>,
      %run_scoped3A_232 = arith.constant 1 : i32
      "tpu.region"() ({
        %run_scoped3A_480 = tpu.sem_alloc : memref<!tpu.dma_semaphore, #tpu.memory_space<semaphore_mem>>
        %dma_start3A_481 = arith.constant 0 : i32
        %dma_start3A_482 = arith.constant 0 : i32
        %dma_start3A_483 = tpu.memref_slice %arg14[%run_scoped3A_232, %dma_start3A_481, %dma_start3A_482] : memref<5x80x64xf32, #tpu.memory_space<vmem>> -> memref<1x80x64xf32, #tpu.memory_space<vmem>>
        %dma_start3A_484 = tpu.memref_squeeze %dma_start3A_483 : memref<1x80x64xf32, #tpu.memory_space<vmem>> -> memref<80x64xf32, #tpu.memory_space<vmem>>
        %dma_start3A_485 = arith.constant 0 : i32
        %dma_start3A_486 = arith.constant 0 : i32
        %dma_start3A_487 = tpu.memref_slice %arg15[%dma_start3A_485, %dma_start3A_486] : memref<10000x64xf32, #tpu.memory_space<vmem_shared>> -> memref<10000x64xf32, #tpu.memory_space<vmem_shared>>
        tpu.enqueue_indirect_dma source(%dma_start3A_484 : memref<80x64xf32, #tpu.memory_space<vmem>>) target(%dma_start3A_487 : memref<10000x64xf32, #tpu.memory_space<vmem_shared>>) offsets(%arg9 : memref<80xi32, #tpu.memory_space<vmem>>) semaphore(%run_scoped3A_480 : memref<!tpu.dma_semaphore, #tpu.memory_space<semaphore_mem>>) {add = true}
        %dma_wait3A_488 = arith.constant 0 : i32
        %dma_wait3A_489 = arith.constant 0 : i32
        %dma_wait3A_490 = tpu.memref_slice %arg14[%run_scoped3A_232, %dma_wait3A_488, %dma_wait3A_489] : memref<5x80x64xf32, #tpu.memory_space<vmem>> -> memref<1x80x64xf32, #tpu.memory_space<vmem>>
        %dma_wait3A_491 = tpu.memref_squeeze %dma_wait3A_490 : memref<1x80x64xf32, #tpu.memory_space<vmem>> -> memref<80x64xf32, #tpu.memory_space<vmem>>
        %dma_wait3A_492 = arith.constant 0 : i32
        %dma_wait3A_493 = arith.constant 0 : i32
        %dma_wait3A_494 = tpu.memref_slice %arg15[%dma_wait3A_492, %dma_wait3A_493] : memref<10000x64xf32, #tpu.memory_space<vmem_shared>> -> memref<10000x64xf32, #tpu.memory_space<vmem_shared>>
        tpu.wait_indirect_dma semaphore(%run_scoped3A_480 : memref<!tpu.dma_semaphore, #tpu.memory_space<semaphore_mem>>) src(%dma_wait3A_491 : memref<80x64xf32, #tpu.memory_space<vmem>>) dst(%dma_wait3A_494 : memref<10000x64xf32, #tpu.memory_space<vmem_shared>>)
        tpu.yield
      }) : () -> ()
      %add3A_233 = arith.constant 5 : i32
      %add3A_234 = arith.addi %add3A_163, %add3A_233 : i32
      %lt3A_235 = arith.constant 125 : i32
      %lt3A_236 = arith.cmpi slt, %add3A_234, %lt3A_235 : i32
      %convert_element_type3A_237 = arith.extui %lt3A_236 : i1 to i32
      %cond3A_238 = arith.constant 0 : i32
      %cond3A_239 = arith.cmpi ne, %convert_element_type3A_237, %cond3A_238 : i32
      scf.if %cond3A_239 {
        %mul3A_480 = arith.constant 80 : i32
        %mul3A_481 = arith.muli %add3A_234, %mul3A_480 : i32
        %dma_start3A_482 = arith.constant 1 : i32
        %dma_start3A_483 = arith.constant 1 : i32
        %dma_start3A_484 = arith.constant 0 : i32
        %dma_start3A_485 = arith.constant 0 : i32
        %dma_start3A_486 = tpu.memref_slice %arg14[%dma_start3A_482, %dma_start3A_484, %dma_start3A_485] : memref<5x80x64xf32, #tpu.memory_space<vmem>> -> memref<1x80x64xf32, #tpu.memory_space<vmem>>
        %dma_start3A_487 = tpu.memref_squeeze %dma_start3A_486 : memref<1x80x64xf32, #tpu.memory_space<vmem>> -> memref<80x64xf32, #tpu.memory_space<vmem>>
        %dma_start3A_488 = tpu.memref_slice %arg8[%mul3A_481] : memref<10000xi32, #tpu.memory_space<vmem>> -> memref<80xi32, #tpu.memory_space<vmem>>
        %dma_start3A_489 = arith.constant 0 : i32
        %dma_start3A_490 = arith.constant 0 : i32
        %dma_start3A_491 = tpu.memref_slice %arg2[%dma_start3A_489, %dma_start3A_490] : memref<10000x64xf32, #tpu.memory_space<hbm>> -> memref<10000x64xf32, #tpu.memory_space<hbm>>
        %dma_start3A_492 = tpu.memref_slice %arg16[%dma_start3A_483] : memref<5x!tpu.dma_semaphore, #tpu.memory_space<semaphore_mem>> -> memref<1x!tpu.dma_semaphore, #tpu.memory_space<semaphore_mem>>
        %dma_start3A_493 = tpu.memref_squeeze %dma_start3A_492 : memref<1x!tpu.dma_semaphore, #tpu.memory_space<semaphore_mem>> -> memref<!tpu.dma_semaphore, #tpu.memory_space<semaphore_mem>>
        tpu.enqueue_indirect_dma source(%dma_start3A_491 : memref<10000x64xf32, #tpu.memory_space<hbm>>) target(%dma_start3A_487 : memref<80x64xf32, #tpu.memory_space<vmem>>) offsets(%dma_start3A_488 : memref<80xi32, #tpu.memory_space<vmem>>) semaphore(%dma_start3A_493 : memref<!tpu.dma_semaphore, #tpu.memory_space<semaphore_mem>>)
      } else {
      }
      %mul3A_240 = arith.constant 5 : i32
      %mul3A_241 = arith.muli %scan3A_84, %mul3A_240 : i32
      %add3A_242 = arith.constant 2 : i32
      %add3A_243 = arith.addi %mul3A_241, %add3A_242 : i32
      %dma_wait3A_244 = arith.constant 2 : i32
      %dma_wait3A_245 = arith.constant 2 : i32
      %dma_wait3A_246 = arith.constant 0 : i32
      %dma_wait3A_247 = arith.constant 0 : i32
      %dma_wait3A_248 = tpu.memref_slice %arg14[%dma_wait3A_244, %dma_wait3A_246, %dma_wait3A_247] : memref<5x80x64xf32, #tpu.memory_space<vmem>> -> memref<1x80x64xf32, #tpu.memory_space<vmem>>
      %dma_wait3A_249 = tpu.memref_squeeze %dma_wait3A_248 : memref<1x80x64xf32, #tpu.memory_space<vmem>> -> memref<80x64xf32, #tpu.memory_space<vmem>>
      %dma_wait3A_250 = arith.constant 160 : i32
      %dma_wait3A_251 = tpu.memref_slice %arg8[%dma_wait3A_250] : memref<10000xi32, #tpu.memory_space<vmem>> -> memref<80xi32, #tpu.memory_space<vmem>>
      %dma_wait3A_252 = arith.constant 0 : i32
      %dma_wait3A_253 = arith.constant 0 : i32
      %dma_wait3A_254 = tpu.memref_slice %arg2[%dma_wait3A_252, %dma_wait3A_253] : memref<10000x64xf32, #tpu.memory_space<hbm>> -> memref<10000x64xf32, #tpu.memory_space<hbm>>
      %dma_wait3A_255 = tpu.memref_slice %arg16[%dma_wait3A_245] : memref<5x!tpu.dma_semaphore, #tpu.memory_space<semaphore_mem>> -> memref<1x!tpu.dma_semaphore, #tpu.memory_space<semaphore_mem>>
      %dma_wait3A_256 = tpu.memref_squeeze %dma_wait3A_255 : memref<1x!tpu.dma_semaphore, #tpu.memory_space<semaphore_mem>> -> memref<!tpu.dma_semaphore, #tpu.memory_space<semaphore_mem>>
      tpu.wait_indirect_dma semaphore(%dma_wait3A_256 : memref<!tpu.dma_semaphore, #tpu.memory_space<semaphore_mem>>) src(%dma_wait3A_254 : memref<10000x64xf32, #tpu.memory_space<hbm>>) dst(%dma_wait3A_249 : memref<80x64xf32, #tpu.memory_space<vmem>>)
      %mul3A_257 = arith.constant 80 : i32
      %mul3A_258 = arith.muli %add3A_243, %mul3A_257 : i32
      %add3A_259 = arith.constant 0 : i32
      %add3A_260 = arith.addi %mul3A_258, %add3A_259 : i32
      %get3A_261 = arith.index_cast %add3A_260 : i32 to index
      %get3A_262 = tpu.vector_load %arg7[%get3A_261] {strides = array<i32>} : memref<10000xi32, #tpu.memory_space<vmem>>, vector<16xi32>,
      %get3A_263 = vector.shape_cast %get3A_262 : vector<16xi32> to vector<16xi32>
      %swap3A_264 = arith.constant 0 : index
      %swap3A_265 = tpu.vector_load %arg9[%swap3A_264] {strides = array<i32>} : memref<80xi32, #tpu.memory_space<vmem>>, vector<16xi32>,
      %swap3A_266 = vector.shape_cast %swap3A_265 : vector<16xi32> to vector<16xi32>
      %swap3A_267 = vector.shape_cast %get3A_263 : vector<16xi32> to vector<16xi32>
      tpu.vector_store %arg9[%swap3A_264], %swap3A_267 {strides = array<i32>} : memref<80xi32, #tpu.memory_space<vmem>>, vector<16xi32>,
      %mul3A_268 = arith.constant 80 : i32
      %mul3A_269 = arith.muli %add3A_243, %mul3A_268 : i32
      %add3A_270 = arith.constant 16 : i32
      %add3A_271 = arith.addi %mul3A_269, %add3A_270 : i32
      %get3A_272 = arith.index_cast %add3A_271 : i32 to index
      %get3A_273 = tpu.vector_load %arg7[%get3A_272] {strides = array<i32>} : memref<10000xi32, #tpu.memory_space<vmem>>, vector<16xi32>,
      %get3A_274 = vector.shape_cast %get3A_273 : vector<16xi32> to vector<16xi32>
      %swap3A_275 = arith.constant 16 : index
      %swap3A_276 = tpu.vector_load %arg9[%swap3A_275] {strides = array<i32>} : memref<80xi32, #tpu.memory_space<vmem>>, vector<16xi32>,
      %swap3A_277 = vector.shape_cast %swap3A_276 : vector<16xi32> to vector<16xi32>
      %swap3A_278 = vector.shape_cast %get3A_274 : vector<16xi32> to vector<16xi32>
      tpu.vector_store %arg9[%swap3A_275], %swap3A_278 {strides = array<i32>} : memref<80xi32, #tpu.memory_space<vmem>>, vector<16xi32>,
      %mul3A_279 = arith.constant 80 : i32
      %mul3A_280 = arith.muli %add3A_243, %mul3A_279 : i32
      %add3A_281 = arith.constant 32 : i32
      %add3A_282 = arith.addi %mul3A_280, %add3A_281 : i32
      %get3A_283 = arith.index_cast %add3A_282 : i32 to index
      %get3A_284 = tpu.vector_load %arg7[%get3A_283] {strides = array<i32>} : memref<10000xi32, #tpu.memory_space<vmem>>, vector<16xi32>,
      %get3A_285 = vector.shape_cast %get3A_284 : vector<16xi32> to vector<16xi32>
      %swap3A_286 = arith.constant 32 : index
      %swap3A_287 = tpu.vector_load %arg9[%swap3A_286] {strides = array<i32>} : memref<80xi32, #tpu.memory_space<vmem>>, vector<16xi32>,
      %swap3A_288 = vector.shape_cast %swap3A_287 : vector<16xi32> to vector<16xi32>
      %swap3A_289 = vector.shape_cast %get3A_285 : vector<16xi32> to vector<16xi32>
      tpu.vector_store %arg9[%swap3A_286], %swap3A_289 {strides = array<i32>} : memref<80xi32, #tpu.memory_space<vmem>>, vector<16xi32>,
      %mul3A_290 = arith.constant 80 : i32
      %mul3A_291 = arith.muli %add3A_243, %mul3A_290 : i32
      %add3A_292 = arith.constant 48 : i32
      %add3A_293 = arith.addi %mul3A_291, %add3A_292 : i32
      %get3A_294 = arith.index_cast %add3A_293 : i32 to index
      %get3A_295 = tpu.vector_load %arg7[%get3A_294] {strides = array<i32>} : memref<10000xi32, #tpu.memory_space<vmem>>, vector<16xi32>,
      %get3A_296 = vector.shape_cast %get3A_295 : vector<16xi32> to vector<16xi32>
      %swap3A_297 = arith.constant 48 : index
      %swap3A_298 = tpu.vector_load %arg9[%swap3A_297] {strides = array<i32>} : memref<80xi32, #tpu.memory_space<vmem>>, vector<16xi32>,
      %swap3A_299 = vector.shape_cast %swap3A_298 : vector<16xi32> to vector<16xi32>
      %swap3A_300 = vector.shape_cast %get3A_296 : vector<16xi32> to vector<16xi32>
      tpu.vector_store %arg9[%swap3A_297], %swap3A_300 {strides = array<i32>} : memref<80xi32, #tpu.memory_space<vmem>>, vector<16xi32>,
      %mul3A_301 = arith.constant 80 : i32
      %mul3A_302 = arith.muli %add3A_243, %mul3A_301 : i32
      %add3A_303 = arith.constant 64 : i32
      %add3A_304 = arith.addi %mul3A_302, %add3A_303 : i32
      %get3A_305 = arith.index_cast %add3A_304 : i32 to index
      %get3A_306 = tpu.vector_load %arg7[%get3A_305] {strides = array<i32>} : memref<10000xi32, #tpu.memory_space<vmem>>, vector<16xi32>,
      %get3A_307 = vector.shape_cast %get3A_306 : vector<16xi32> to vector<16xi32>
      %swap3A_308 = arith.constant 64 : index
      %swap3A_309 = tpu.vector_load %arg9[%swap3A_308] {strides = array<i32>} : memref<80xi32, #tpu.memory_space<vmem>>, vector<16xi32>,
      %swap3A_310 = vector.shape_cast %swap3A_309 : vector<16xi32> to vector<16xi32>
      %swap3A_311 = vector.shape_cast %get3A_307 : vector<16xi32> to vector<16xi32>
      tpu.vector_store %arg9[%swap3A_308], %swap3A_311 {strides = array<i32>} : memref<80xi32, #tpu.memory_space<vmem>>, vector<16xi32>,
      %run_scoped3A_312 = arith.constant 2 : i32
      "tpu.region"() ({
        %run_scoped3A_480 = tpu.sem_alloc : memref<!tpu.dma_semaphore, #tpu.memory_space<semaphore_mem>>
        %dma_start3A_481 = arith.constant 0 : i32
        %dma_start3A_482 = arith.constant 0 : i32
        %dma_start3A_483 = tpu.memref_slice %arg14[%run_scoped3A_312, %dma_start3A_481, %dma_start3A_482] : memref<5x80x64xf32, #tpu.memory_space<vmem>> -> memref<1x80x64xf32, #tpu.memory_space<vmem>>
        %dma_start3A_484 = tpu.memref_squeeze %dma_start3A_483 : memref<1x80x64xf32, #tpu.memory_space<vmem>> -> memref<80x64xf32, #tpu.memory_space<vmem>>
        %dma_start3A_485 = arith.constant 0 : i32
        %dma_start3A_486 = arith.constant 0 : i32
        %dma_start3A_487 = tpu.memref_slice %arg15[%dma_start3A_485, %dma_start3A_486] : memref<10000x64xf32, #tpu.memory_space<vmem_shared>> -> memref<10000x64xf32, #tpu.memory_space<vmem_shared>>
        tpu.enqueue_indirect_dma source(%dma_start3A_484 : memref<80x64xf32, #tpu.memory_space<vmem>>) target(%dma_start3A_487 : memref<10000x64xf32, #tpu.memory_space<vmem_shared>>) offsets(%arg9 : memref<80xi32, #tpu.memory_space<vmem>>) semaphore(%run_scoped3A_480 : memref<!tpu.dma_semaphore, #tpu.memory_space<semaphore_mem>>) {add = true}
        %dma_wait3A_488 = arith.constant 0 : i32
        %dma_wait3A_489 = arith.constant 0 : i32
        %dma_wait3A_490 = tpu.memref_slice %arg14[%run_scoped3A_312, %dma_wait3A_488, %dma_wait3A_489] : memref<5x80x64xf32, #tpu.memory_space<vmem>> -> memref<1x80x64xf32, #tpu.memory_space<vmem>>
        %dma_wait3A_491 = tpu.memref_squeeze %dma_wait3A_490 : memref<1x80x64xf32, #tpu.memory_space<vmem>> -> memref<80x64xf32, #tpu.memory_space<vmem>>
        %dma_wait3A_492 = arith.constant 0 : i32
        %dma_wait3A_493 = arith.constant 0 : i32
        %dma_wait3A_494 = tpu.memref_slice %arg15[%dma_wait3A_492, %dma_wait3A_493] : memref<10000x64xf32, #tpu.memory_space<vmem_shared>> -> memref<10000x64xf32, #tpu.memory_space<vmem_shared>>
        tpu.wait_indirect_dma semaphore(%run_scoped3A_480 : memref<!tpu.dma_semaphore, #tpu.memory_space<semaphore_mem>>) src(%dma_wait3A_491 : memref<80x64xf32, #tpu.memory_space<vmem>>) dst(%dma_wait3A_494 : memref<10000x64xf32, #tpu.memory_space<vmem_shared>>)
        tpu.yield
      }) : () -> ()
      %add3A_313 = arith.constant 5 : i32
      %add3A_314 = arith.addi %add3A_243, %add3A_313 : i32
      %lt3A_315 = arith.constant 125 : i32
      %lt3A_316 = arith.cmpi slt, %add3A_314, %lt3A_315 : i32
      %convert_element_type3A_317 = arith.extui %lt3A_316 : i1 to i32
      %cond3A_318 = arith.constant 0 : i32
      %cond3A_319 = arith.cmpi ne, %convert_element_type3A_317, %cond3A_318 : i32
      scf.if %cond3A_319 {
        %mul3A_480 = arith.constant 80 : i32
        %mul3A_481 = arith.muli %add3A_314, %mul3A_480 : i32
        %dma_start3A_482 = arith.constant 2 : i32
        %dma_start3A_483 = arith.constant 2 : i32
        %dma_start3A_484 = arith.constant 0 : i32
        %dma_start3A_485 = arith.constant 0 : i32
        %dma_start3A_486 = tpu.memref_slice %arg14[%dma_start3A_482, %dma_start3A_484, %dma_start3A_485] : memref<5x80x64xf32, #tpu.memory_space<vmem>> -> memref<1x80x64xf32, #tpu.memory_space<vmem>>
        %dma_start3A_487 = tpu.memref_squeeze %dma_start3A_486 : memref<1x80x64xf32, #tpu.memory_space<vmem>> -> memref<80x64xf32, #tpu.memory_space<vmem>>
        %dma_start3A_488 = tpu.memref_slice %arg8[%mul3A_481] : memref<10000xi32, #tpu.memory_space<vmem>> -> memref<80xi32, #tpu.memory_space<vmem>>
        %dma_start3A_489 = arith.constant 0 : i32
        %dma_start3A_490 = arith.constant 0 : i32
        %dma_start3A_491 = tpu.memref_slice %arg2[%dma_start3A_489, %dma_start3A_490] : memref<10000x64xf32, #tpu.memory_space<hbm>> -> memref<10000x64xf32, #tpu.memory_space<hbm>>
        %dma_start3A_492 = tpu.memref_slice %arg16[%dma_start3A_483] : memref<5x!tpu.dma_semaphore, #tpu.memory_space<semaphore_mem>> -> memref<1x!tpu.dma_semaphore, #tpu.memory_space<semaphore_mem>>
        %dma_start3A_493 = tpu.memref_squeeze %dma_start3A_492 : memref<1x!tpu.dma_semaphore, #tpu.memory_space<semaphore_mem>> -> memref<!tpu.dma_semaphore, #tpu.memory_space<semaphore_mem>>
        tpu.enqueue_indirect_dma source(%dma_start3A_491 : memref<10000x64xf32, #tpu.memory_space<hbm>>) target(%dma_start3A_487 : memref<80x64xf32, #tpu.memory_space<vmem>>) offsets(%dma_start3A_488 : memref<80xi32, #tpu.memory_space<vmem>>) semaphore(%dma_start3A_493 : memref<!tpu.dma_semaphore, #tpu.memory_space<semaphore_mem>>)
      } else {
      }
      %mul3A_320 = arith.constant 5 : i32
      %mul3A_321 = arith.muli %scan3A_84, %mul3A_320 : i32
      %add3A_322 = arith.constant 3 : i32
      %add3A_323 = arith.addi %mul3A_321, %add3A_322 : i32
      %dma_wait3A_324 = arith.constant 3 : i32
      %dma_wait3A_325 = arith.constant 3 : i32
      %dma_wait3A_326 = arith.constant 0 : i32
      %dma_wait3A_327 = arith.constant 0 : i32
      %dma_wait3A_328 = tpu.memref_slice %arg14[%dma_wait3A_324, %dma_wait3A_326, %dma_wait3A_327] : memref<5x80x64xf32, #tpu.memory_space<vmem>> -> memref<1x80x64xf32, #tpu.memory_space<vmem>>
      %dma_wait3A_329 = tpu.memref_squeeze %dma_wait3A_328 : memref<1x80x64xf32, #tpu.memory_space<vmem>> -> memref<80x64xf32, #tpu.memory_space<vmem>>
      %dma_wait3A_330 = arith.constant 240 : i32
      %dma_wait3A_331 = tpu.memref_slice %arg8[%dma_wait3A_330] : memref<10000xi32, #tpu.memory_space<vmem>> -> memref<80xi32, #tpu.memory_space<vmem>>
      %dma_wait3A_332 = arith.constant 0 : i32
      %dma_wait3A_333 = arith.constant 0 : i32
      %dma_wait3A_334 = tpu.memref_slice %arg2[%dma_wait3A_332, %dma_wait3A_333] : memref<10000x64xf32, #tpu.memory_space<hbm>> -> memref<10000x64xf32, #tpu.memory_space<hbm>>
      %dma_wait3A_335 = tpu.memref_slice %arg16[%dma_wait3A_325] : memref<5x!tpu.dma_semaphore, #tpu.memory_space<semaphore_mem>> -> memref<1x!tpu.dma_semaphore, #tpu.memory_space<semaphore_mem>>
      %dma_wait3A_336 = tpu.memref_squeeze %dma_wait3A_335 : memref<1x!tpu.dma_semaphore, #tpu.memory_space<semaphore_mem>> -> memref<!tpu.dma_semaphore, #tpu.memory_space<semaphore_mem>>
      tpu.wait_indirect_dma semaphore(%dma_wait3A_336 : memref<!tpu.dma_semaphore, #tpu.memory_space<semaphore_mem>>) src(%dma_wait3A_334 : memref<10000x64xf32, #tpu.memory_space<hbm>>) dst(%dma_wait3A_329 : memref<80x64xf32, #tpu.memory_space<vmem>>)
      %mul3A_337 = arith.constant 80 : i32
      %mul3A_338 = arith.muli %add3A_323, %mul3A_337 : i32
      %add3A_339 = arith.constant 0 : i32
      %add3A_340 = arith.addi %mul3A_338, %add3A_339 : i32
      %get3A_341 = arith.index_cast %add3A_340 : i32 to index
      %get3A_342 = tpu.vector_load %arg7[%get3A_341] {strides = array<i32>} : memref<10000xi32, #tpu.memory_space<vmem>>, vector<16xi32>,
      %get3A_343 = vector.shape_cast %get3A_342 : vector<16xi32> to vector<16xi32>
      %swap3A_344 = arith.constant 0 : index
      %swap3A_345 = tpu.vector_load %arg9[%swap3A_344] {strides = array<i32>} : memref<80xi32, #tpu.memory_space<vmem>>, vector<16xi32>,
      %swap3A_346 = vector.shape_cast %swap3A_345 : vector<16xi32> to vector<16xi32>
      %swap3A_347 = vector.shape_cast %get3A_343 : vector<16xi32> to vector<16xi32>
      tpu.vector_store %arg9[%swap3A_344], %swap3A_347 {strides = array<i32>} : memref<80xi32, #tpu.memory_space<vmem>>, vector<16xi32>,
      %mul3A_348 = arith.constant 80 : i32
      %mul3A_349 = arith.muli %add3A_323, %mul3A_348 : i32
      %add3A_350 = arith.constant 16 : i32
      %add3A_351 = arith.addi %mul3A_349, %add3A_350 : i32
      %get3A_352 = arith.index_cast %add3A_351 : i32 to index
      %get3A_353 = tpu.vector_load %arg7[%get3A_352] {strides = array<i32>} : memref<10000xi32, #tpu.memory_space<vmem>>, vector<16xi32>,
      %get3A_354 = vector.shape_cast %get3A_353 : vector<16xi32> to vector<16xi32>
      %swap3A_355 = arith.constant 16 : index
      %swap3A_356 = tpu.vector_load %arg9[%swap3A_355] {strides = array<i32>} : memref<80xi32, #tpu.memory_space<vmem>>, vector<16xi32>,
      %swap3A_357 = vector.shape_cast %swap3A_356 : vector<16xi32> to vector<16xi32>
      %swap3A_358 = vector.shape_cast %get3A_354 : vector<16xi32> to vector<16xi32>
      tpu.vector_store %arg9[%swap3A_355], %swap3A_358 {strides = array<i32>} : memref<80xi32, #tpu.memory_space<vmem>>, vector<16xi32>,
      %mul3A_359 = arith.constant 80 : i32
      %mul3A_360 = arith.muli %add3A_323, %mul3A_359 : i32
      %add3A_361 = arith.constant 32 : i32
      %add3A_362 = arith.addi %mul3A_360, %add3A_361 : i32
      %get3A_363 = arith.index_cast %add3A_362 : i32 to index
      %get3A_364 = tpu.vector_load %arg7[%get3A_363] {strides = array<i32>} : memref<10000xi32, #tpu.memory_space<vmem>>, vector<16xi32>,
      %get3A_365 = vector.shape_cast %get3A_364 : vector<16xi32> to vector<16xi32>
      %swap3A_366 = arith.constant 32 : index
      %swap3A_367 = tpu.vector_load %arg9[%swap3A_366] {strides = array<i32>} : memref<80xi32, #tpu.memory_space<vmem>>, vector<16xi32>,
      %swap3A_368 = vector.shape_cast %swap3A_367 : vector<16xi32> to vector<16xi32>
      %swap3A_369 = vector.shape_cast %get3A_365 : vector<16xi32> to vector<16xi32>
      tpu.vector_store %arg9[%swap3A_366], %swap3A_369 {strides = array<i32>} : memref<80xi32, #tpu.memory_space<vmem>>, vector<16xi32>,
      %mul3A_370 = arith.constant 80 : i32
      %mul3A_371 = arith.muli %add3A_323, %mul3A_370 : i32
      %add3A_372 = arith.constant 48 : i32
      %add3A_373 = arith.addi %mul3A_371, %add3A_372 : i32
      %get3A_374 = arith.index_cast %add3A_373 : i32 to index
      %get3A_375 = tpu.vector_load %arg7[%get3A_374] {strides = array<i32>} : memref<10000xi32, #tpu.memory_space<vmem>>, vector<16xi32>,
      %get3A_376 = vector.shape_cast %get3A_375 : vector<16xi32> to vector<16xi32>
      %swap3A_377 = arith.constant 48 : index
      %swap3A_378 = tpu.vector_load %arg9[%swap3A_377] {strides = array<i32>} : memref<80xi32, #tpu.memory_space<vmem>>, vector<16xi32>,
      %swap3A_379 = vector.shape_cast %swap3A_378 : vector<16xi32> to vector<16xi32>
      %swap3A_380 = vector.shape_cast %get3A_376 : vector<16xi32> to vector<16xi32>
      tpu.vector_store %arg9[%swap3A_377], %swap3A_380 {strides = array<i32>} : memref<80xi32, #tpu.memory_space<vmem>>, vector<16xi32>,
      %mul3A_381 = arith.constant 80 : i32
      %mul3A_382 = arith.muli %add3A_323, %mul3A_381 : i32
      %add3A_383 = arith.constant 64 : i32
      %add3A_384 = arith.addi %mul3A_382, %add3A_383 : i32
      %get3A_385 = arith.index_cast %add3A_384 : i32 to index
      %get3A_386 = tpu.vector_load %arg7[%get3A_385] {strides = array<i32>} : memref<10000xi32, #tpu.memory_space<vmem>>, vector<16xi32>,
      %get3A_387 = vector.shape_cast %get3A_386 : vector<16xi32> to vector<16xi32>
      %swap3A_388 = arith.constant 64 : index
      %swap3A_389 = tpu.vector_load %arg9[%swap3A_388] {strides = array<i32>} : memref<80xi32, #tpu.memory_space<vmem>>, vector<16xi32>,
      %swap3A_390 = vector.shape_cast %swap3A_389 : vector<16xi32> to vector<16xi32>
      %swap3A_391 = vector.shape_cast %get3A_387 : vector<16xi32> to vector<16xi32>
      tpu.vector_store %arg9[%swap3A_388], %swap3A_391 {strides = array<i32>} : memref<80xi32, #tpu.memory_space<vmem>>, vector<16xi32>,
      %run_scoped3A_392 = arith.constant 3 : i32
      "tpu.region"() ({
        %run_scoped3A_480 = tpu.sem_alloc : memref<!tpu.dma_semaphore, #tpu.memory_space<semaphore_mem>>
        %dma_start3A_481 = arith.constant 0 : i32
        %dma_start3A_482 = arith.constant 0 : i32
        %dma_start3A_483 = tpu.memref_slice %arg14[%run_scoped3A_392, %dma_start3A_481, %dma_start3A_482] : memref<5x80x64xf32, #tpu.memory_space<vmem>> -> memref<1x80x64xf32, #tpu.memory_space<vmem>>
        %dma_start3A_484 = tpu.memref_squeeze %dma_start3A_483 : memref<1x80x64xf32, #tpu.memory_space<vmem>> -> memref<80x64xf32, #tpu.memory_space<vmem>>
        %dma_start3A_485 = arith.constant 0 : i32
        %dma_start3A_486 = arith.constant 0 : i32
        %dma_start3A_487 = tpu.memref_slice %arg15[%dma_start3A_485, %dma_start3A_486] : memref<10000x64xf32, #tpu.memory_space<vmem_shared>> -> memref<10000x64xf32, #tpu.memory_space<vmem_shared>>
        tpu.enqueue_indirect_dma source(%dma_start3A_484 : memref<80x64xf32, #tpu.memory_space<vmem>>) target(%dma_start3A_487 : memref<10000x64xf32, #tpu.memory_space<vmem_shared>>) offsets(%arg9 : memref<80xi32, #tpu.memory_space<vmem>>) semaphore(%run_scoped3A_480 : memref<!tpu.dma_semaphore, #tpu.memory_space<semaphore_mem>>) {add = true}
        %dma_wait3A_488 = arith.constant 0 : i32
        %dma_wait3A_489 = arith.constant 0 : i32
        %dma_wait3A_490 = tpu.memref_slice %arg14[%run_scoped3A_392, %dma_wait3A_488, %dma_wait3A_489] : memref<5x80x64xf32, #tpu.memory_space<vmem>> -> memref<1x80x64xf32, #tpu.memory_space<vmem>>
        %dma_wait3A_491 = tpu.memref_squeeze %dma_wait3A_490 : memref<1x80x64xf32, #tpu.memory_space<vmem>> -> memref<80x64xf32, #tpu.memory_space<vmem>>
        %dma_wait3A_492 = arith.constant 0 : i32
        %dma_wait3A_493 = arith.constant 0 : i32
        %dma_wait3A_494 = tpu.memref_slice %arg15[%dma_wait3A_492, %dma_wait3A_493] : memref<10000x64xf32, #tpu.memory_space<vmem_shared>> -> memref<10000x64xf32, #tpu.memory_space<vmem_shared>>
        tpu.wait_indirect_dma semaphore(%run_scoped3A_480 : memref<!tpu.dma_semaphore, #tpu.memory_space<semaphore_mem>>) src(%dma_wait3A_491 : memref<80x64xf32, #tpu.memory_space<vmem>>) dst(%dma_wait3A_494 : memref<10000x64xf32, #tpu.memory_space<vmem_shared>>)
        tpu.yield
      }) : () -> ()
      %add3A_393 = arith.constant 5 : i32
      %add3A_394 = arith.addi %add3A_323, %add3A_393 : i32
      %lt3A_395 = arith.constant 125 : i32
      %lt3A_396 = arith.cmpi slt, %add3A_394, %lt3A_395 : i32
      %convert_element_type3A_397 = arith.extui %lt3A_396 : i1 to i32
      %cond3A_398 = arith.constant 0 : i32
      %cond3A_399 = arith.cmpi ne, %convert_element_type3A_397, %cond3A_398 : i32
      scf.if %cond3A_399 {
        %mul3A_480 = arith.constant 80 : i32
        %mul3A_481 = arith.muli %add3A_394, %mul3A_480 : i32
        %dma_start3A_482 = arith.constant 3 : i32
        %dma_start3A_483 = arith.constant 3 : i32
        %dma_start3A_484 = arith.constant 0 : i32
        %dma_start3A_485 = arith.constant 0 : i32
        %dma_start3A_486 = tpu.memref_slice %arg14[%dma_start3A_482, %dma_start3A_484, %dma_start3A_485] : memref<5x80x64xf32, #tpu.memory_space<vmem>> -> memref<1x80x64xf32, #tpu.memory_space<vmem>>
        %dma_start3A_487 = tpu.memref_squeeze %dma_start3A_486 : memref<1x80x64xf32, #tpu.memory_space<vmem>> -> memref<80x64xf32, #tpu.memory_space<vmem>>
        %dma_start3A_488 = tpu.memref_slice %arg8[%mul3A_481] : memref<10000xi32, #tpu.memory_space<vmem>> -> memref<80xi32, #tpu.memory_space<vmem>>
        %dma_start3A_489 = arith.constant 0 : i32
        %dma_start3A_490 = arith.constant 0 : i32
        %dma_start3A_491 = tpu.memref_slice %arg2[%dma_start3A_489, %dma_start3A_490] : memref<10000x64xf32, #tpu.memory_space<hbm>> -> memref<10000x64xf32, #tpu.memory_space<hbm>>
        %dma_start3A_492 = tpu.memref_slice %arg16[%dma_start3A_483] : memref<5x!tpu.dma_semaphore, #tpu.memory_space<semaphore_mem>> -> memref<1x!tpu.dma_semaphore, #tpu.memory_space<semaphore_mem>>
        %dma_start3A_493 = tpu.memref_squeeze %dma_start3A_492 : memref<1x!tpu.dma_semaphore, #tpu.memory_space<semaphore_mem>> -> memref<!tpu.dma_semaphore, #tpu.memory_space<semaphore_mem>>
        tpu.enqueue_indirect_dma source(%dma_start3A_491 : memref<10000x64xf32, #tpu.memory_space<hbm>>) target(%dma_start3A_487 : memref<80x64xf32, #tpu.memory_space<vmem>>) offsets(%dma_start3A_488 : memref<80xi32, #tpu.memory_space<vmem>>) semaphore(%dma_start3A_493 : memref<!tpu.dma_semaphore, #tpu.memory_space<semaphore_mem>>)
      } else {
      }
      %mul3A_400 = arith.constant 5 : i32
      %mul3A_401 = arith.muli %scan3A_84, %mul3A_400 : i32
      %add3A_402 = arith.constant 4 : i32
      %add3A_403 = arith.addi %mul3A_401, %add3A_402 : i32
      %dma_wait3A_404 = arith.constant 4 : i32
      %dma_wait3A_405 = arith.constant 4 : i32
      %dma_wait3A_406 = arith.constant 0 : i32
      %dma_wait3A_407 = arith.constant 0 : i32
      %dma_wait3A_408 = tpu.memref_slice %arg14[%dma_wait3A_404, %dma_wait3A_406, %dma_wait3A_407] : memref<5x80x64xf32, #tpu.memory_space<vmem>> -> memref<1x80x64xf32, #tpu.memory_space<vmem>>
      %dma_wait3A_409 = tpu.memref_squeeze %dma_wait3A_408 : memref<1x80x64xf32, #tpu.memory_space<vmem>> -> memref<80x64xf32, #tpu.memory_space<vmem>>
      %dma_wait3A_410 = arith.constant 320 : i32
      %dma_wait3A_411 = tpu.memref_slice %arg8[%dma_wait3A_410] : memref<10000xi32, #tpu.memory_space<vmem>> -> memref<80xi32, #tpu.memory_space<vmem>>
      %dma_wait3A_412 = arith.constant 0 : i32
      %dma_wait3A_413 = arith.constant 0 : i32
      %dma_wait3A_414 = tpu.memref_slice %arg2[%dma_wait3A_412, %dma_wait3A_413] : memref<10000x64xf32, #tpu.memory_space<hbm>> -> memref<10000x64xf32, #tpu.memory_space<hbm>>
      %dma_wait3A_415 = tpu.memref_slice %arg16[%dma_wait3A_405] : memref<5x!tpu.dma_semaphore, #tpu.memory_space<semaphore_mem>> -> memref<1x!tpu.dma_semaphore, #tpu.memory_space<semaphore_mem>>
      %dma_wait3A_416 = tpu.memref_squeeze %dma_wait3A_415 : memref<1x!tpu.dma_semaphore, #tpu.memory_space<semaphore_mem>> -> memref<!tpu.dma_semaphore, #tpu.memory_space<semaphore_mem>>
      tpu.wait_indirect_dma semaphore(%dma_wait3A_416 : memref<!tpu.dma_semaphore, #tpu.memory_space<semaphore_mem>>) src(%dma_wait3A_414 : memref<10000x64xf32, #tpu.memory_space<hbm>>) dst(%dma_wait3A_409 : memref<80x64xf32, #tpu.memory_space<vmem>>)
      %mul3A_417 = arith.constant 80 : i32
      %mul3A_418 = arith.muli %add3A_403, %mul3A_417 : i32
      %add3A_419 = arith.constant 0 : i32
      %add3A_420 = arith.addi %mul3A_418, %add3A_419 : i32
      %get3A_421 = arith.index_cast %add3A_420 : i32 to index
      %get3A_422 = tpu.vector_load %arg7[%get3A_421] {strides = array<i32>} : memref<10000xi32, #tpu.memory_space<vmem>>, vector<16xi32>,
      %get3A_423 = vector.shape_cast %get3A_422 : vector<16xi32> to vector<16xi32>
      %swap3A_424 = arith.constant 0 : index
      %swap3A_425 = tpu.vector_load %arg9[%swap3A_424] {strides = array<i32>} : memref<80xi32, #tpu.memory_space<vmem>>, vector<16xi32>,
      %swap3A_426 = vector.shape_cast %swap3A_425 : vector<16xi32> to vector<16xi32>
      %swap3A_427 = vector.shape_cast %get3A_423 : vector<16xi32> to vector<16xi32>
      tpu.vector_store %arg9[%swap3A_424], %swap3A_427 {strides = array<i32>} : memref<80xi32, #tpu.memory_space<vmem>>, vector<16xi32>,
      %mul3A_428 = arith.constant 80 : i32
      %mul3A_429 = arith.muli %add3A_403, %mul3A_428 : i32
      %add3A_430 = arith.constant 16 : i32
      %add3A_431 = arith.addi %mul3A_429, %add3A_430 : i32
      %get3A_432 = arith.index_cast %add3A_431 : i32 to index
      %get3A_433 = tpu.vector_load %arg7[%get3A_432] {strides = array<i32>} : memref<10000xi32, #tpu.memory_space<vmem>>, vector<16xi32>,
      %get3A_434 = vector.shape_cast %get3A_433 : vector<16xi32> to vector<16xi32>
      %swap3A_435 = arith.constant 16 : index
      %swap3A_436 = tpu.vector_load %arg9[%swap3A_435] {strides = array<i32>} : memref<80xi32, #tpu.memory_space<vmem>>, vector<16xi32>,
      %swap3A_437 = vector.shape_cast %swap3A_436 : vector<16xi32> to vector<16xi32>
      %swap3A_438 = vector.shape_cast %get3A_434 : vector<16xi32> to vector<16xi32>
      tpu.vector_store %arg9[%swap3A_435], %swap3A_438 {strides = array<i32>} : memref<80xi32, #tpu.memory_space<vmem>>, vector<16xi32>,
      %mul3A_439 = arith.constant 80 : i32
      %mul3A_440 = arith.muli %add3A_403, %mul3A_439 : i32
      %add3A_441 = arith.constant 32 : i32
      %add3A_442 = arith.addi %mul3A_440, %add3A_441 : i32
      %get3A_443 = arith.index_cast %add3A_442 : i32 to index
      %get3A_444 = tpu.vector_load %arg7[%get3A_443] {strides = array<i32>} : memref<10000xi32, #tpu.memory_space<vmem>>, vector<16xi32>,
      %get3A_445 = vector.shape_cast %get3A_444 : vector<16xi32> to vector<16xi32>
      %swap3A_446 = arith.constant 32 : index
      %swap3A_447 = tpu.vector_load %arg9[%swap3A_446] {strides = array<i32>} : memref<80xi32, #tpu.memory_space<vmem>>, vector<16xi32>,
      %swap3A_448 = vector.shape_cast %swap3A_447 : vector<16xi32> to vector<16xi32>
      %swap3A_449 = vector.shape_cast %get3A_445 : vector<16xi32> to vector<16xi32>
      tpu.vector_store %arg9[%swap3A_446], %swap3A_449 {strides = array<i32>} : memref<80xi32, #tpu.memory_space<vmem>>, vector<16xi32>,
      %mul3A_450 = arith.constant 80 : i32
      %mul3A_451 = arith.muli %add3A_403, %mul3A_450 : i32
      %add3A_452 = arith.constant 48 : i32
      %add3A_453 = arith.addi %mul3A_451, %add3A_452 : i32
      %get3A_454 = arith.index_cast %add3A_453 : i32 to index
      %get3A_455 = tpu.vector_load %arg7[%get3A_454] {strides = array<i32>} : memref<10000xi32, #tpu.memory_space<vmem>>, vector<16xi32>,
      %get3A_456 = vector.shape_cast %get3A_455 : vector<16xi32> to vector<16xi32>
      %swap3A_457 = arith.constant 48 : index
      %swap3A_458 = tpu.vector_load %arg9[%swap3A_457] {strides = array<i32>} : memref<80xi32, #tpu.memory_space<vmem>>, vector<16xi32>,
      %swap3A_459 = vector.shape_cast %swap3A_458 : vector<16xi32> to vector<16xi32>
      %swap3A_460 = vector.shape_cast %get3A_456 : vector<16xi32> to vector<16xi32>
      tpu.vector_store %arg9[%swap3A_457], %swap3A_460 {strides = array<i32>} : memref<80xi32, #tpu.memory_space<vmem>>, vector<16xi32>,
      %mul3A_461 = arith.constant 80 : i32
      %mul3A_462 = arith.muli %add3A_403, %mul3A_461 : i32
      %add3A_463 = arith.constant 64 : i32
      %add3A_464 = arith.addi %mul3A_462, %add3A_463 : i32
      %get3A_465 = arith.index_cast %add3A_464 : i32 to index
      %get3A_466 = tpu.vector_load %arg7[%get3A_465] {strides = array<i32>} : memref<10000xi32, #tpu.memory_space<vmem>>, vector<16xi32>,
      %get3A_467 = vector.shape_cast %get3A_466 : vector<16xi32> to vector<16xi32>
      %swap3A_468 = arith.constant 64 : index
      %swap3A_469 = tpu.vector_load %arg9[%swap3A_468] {strides = array<i32>} : memref<80xi32, #tpu.memory_space<vmem>>, vector<16xi32>,
      %swap3A_470 = vector.shape_cast %swap3A_469 : vector<16xi32> to vector<16xi32>
      %swap3A_471 = vector.shape_cast %get3A_467 : vector<16xi32> to vector<16xi32>
      tpu.vector_store %arg9[%swap3A_468], %swap3A_471 {strides = array<i32>} : memref<80xi32, #tpu.memory_space<vmem>>, vector<16xi32>,
      %run_scoped3A_472 = arith.constant 4 : i32
      "tpu.region"() ({
        %run_scoped3A_480 = tpu.sem_alloc : memref<!tpu.dma_semaphore, #tpu.memory_space<semaphore_mem>>
        %dma_start3A_481 = arith.constant 0 : i32
        %dma_start3A_482 = arith.constant 0 : i32
        %dma_start3A_483 = tpu.memref_slice %arg14[%run_scoped3A_472, %dma_start3A_481, %dma_start3A_482] : memref<5x80x64xf32, #tpu.memory_space<vmem>> -> memref<1x80x64xf32, #tpu.memory_space<vmem>>
        %dma_start3A_484 = tpu.memref_squeeze %dma_start3A_483 : memref<1x80x64xf32, #tpu.memory_space<vmem>> -> memref<80x64xf32, #tpu.memory_space<vmem>>
        %dma_start3A_485 = arith.constant 0 : i32
        %dma_start3A_486 = arith.constant 0 : i32
        %dma_start3A_487 = tpu.memref_slice %arg15[%dma_start3A_485, %dma_start3A_486] : memref<10000x64xf32, #tpu.memory_space<vmem_shared>> -> memref<10000x64xf32, #tpu.memory_space<vmem_shared>>
        tpu.enqueue_indirect_dma source(%dma_start3A_484 : memref<80x64xf32, #tpu.memory_space<vmem>>) target(%dma_start3A_487 : memref<10000x64xf32, #tpu.memory_space<vmem_shared>>) offsets(%arg9 : memref<80xi32, #tpu.memory_space<vmem>>) semaphore(%run_scoped3A_480 : memref<!tpu.dma_semaphore, #tpu.memory_space<semaphore_mem>>) {add = true}
        %dma_wait3A_488 = arith.constant 0 : i32
        %dma_wait3A_489 = arith.constant 0 : i32
        %dma_wait3A_490 = tpu.memref_slice %arg14[%run_scoped3A_472, %dma_wait3A_488, %dma_wait3A_489] : memref<5x80x64xf32, #tpu.memory_space<vmem>> -> memref<1x80x64xf32, #tpu.memory_space<vmem>>
        %dma_wait3A_491 = tpu.memref_squeeze %dma_wait3A_490 : memref<1x80x64xf32, #tpu.memory_space<vmem>> -> memref<80x64xf32, #tpu.memory_space<vmem>>
        %dma_wait3A_492 = arith.constant 0 : i32
        %dma_wait3A_493 = arith.constant 0 : i32
        %dma_wait3A_494 = tpu.memref_slice %arg15[%dma_wait3A_492, %dma_wait3A_493] : memref<10000x64xf32, #tpu.memory_space<vmem_shared>> -> memref<10000x64xf32, #tpu.memory_space<vmem_shared>>
        tpu.wait_indirect_dma semaphore(%run_scoped3A_480 : memref<!tpu.dma_semaphore, #tpu.memory_space<semaphore_mem>>) src(%dma_wait3A_491 : memref<80x64xf32, #tpu.memory_space<vmem>>) dst(%dma_wait3A_494 : memref<10000x64xf32, #tpu.memory_space<vmem_shared>>)
        tpu.yield
      }) : () -> ()
      %add3A_473 = arith.constant 5 : i32
      %add3A_474 = arith.addi %add3A_403, %add3A_473 : i32
      %lt3A_475 = arith.constant 125 : i32
      %lt3A_476 = arith.cmpi slt, %add3A_474, %lt3A_475 : i32
      %convert_element_type3A_477 = arith.extui %lt3A_476 : i1 to i32
      %cond3A_478 = arith.constant 0 : i32
      %cond3A_479 = arith.cmpi ne, %convert_element_type3A_477, %cond3A_478 : i32
      scf.if %cond3A_479 {
        %mul3A_480 = arith.constant 80 : i32
        %mul3A_481 = arith.muli %add3A_474, %mul3A_480 : i32
        %dma_start3A_482 = arith.constant 4 : i32
        %dma_start3A_483 = arith.constant 4 : i32
        %dma_start3A_484 = arith.constant 0 : i32
        %dma_start3A_485 = arith.constant 0 : i32
        %dma_start3A_486 = tpu.memref_slice %arg14[%dma_start3A_482, %dma_start3A_484, %dma_start3A_485] : memref<5x80x64xf32, #tpu.memory_space<vmem>> -> memref<1x80x64xf32, #tpu.memory_space<vmem>>
        %dma_start3A_487 = tpu.memref_squeeze %dma_start3A_486 : memref<1x80x64xf32, #tpu.memory_space<vmem>> -> memref<80x64xf32, #tpu.memory_space<vmem>>
        %dma_start3A_488 = tpu.memref_slice %arg8[%mul3A_481] : memref<10000xi32, #tpu.memory_space<vmem>> -> memref<80xi32, #tpu.memory_space<vmem>>
        %dma_start3A_489 = arith.constant 0 : i32
        %dma_start3A_490 = arith.constant 0 : i32
        %dma_start3A_491 = tpu.memref_slice %arg2[%dma_start3A_489, %dma_start3A_490] : memref<10000x64xf32, #tpu.memory_space<hbm>> -> memref<10000x64xf32, #tpu.memory_space<hbm>>
        %dma_start3A_492 = tpu.memref_slice %arg16[%dma_start3A_483] : memref<5x!tpu.dma_semaphore, #tpu.memory_space<semaphore_mem>> -> memref<1x!tpu.dma_semaphore, #tpu.memory_space<semaphore_mem>>
        %dma_start3A_493 = tpu.memref_squeeze %dma_start3A_492 : memref<1x!tpu.dma_semaphore, #tpu.memory_space<semaphore_mem>> -> memref<!tpu.dma_semaphore, #tpu.memory_space<semaphore_mem>>
        tpu.enqueue_indirect_dma source(%dma_start3A_491 : memref<10000x64xf32, #tpu.memory_space<hbm>>) target(%dma_start3A_487 : memref<80x64xf32, #tpu.memory_space<vmem>>) offsets(%dma_start3A_488 : memref<80xi32, #tpu.memory_space<vmem>>) semaphore(%dma_start3A_493 : memref<!tpu.dma_semaphore, #tpu.memory_space<semaphore_mem>>)
      } else {
      }
    }
    %scan3A_77 = arith.constant 25 : i32
    %barrier3A_78 = arith.constant 0 : index
    tpu.barrier barrier_id(%barrier3A_78)
    "tpu.region"() ({
      %run_scoped3A = tpu.sem_alloc : memref<!tpu.dma_semaphore, #tpu.memory_space<semaphore_mem>>
      %dma_start3A_84 = arith.constant 0 : i32
      %dma_start3A_85 = tpu.memref_slice %arg6[%arg0, %multiple_of3A, %dma_start3A_84] : memref<2x10000x128xf32, #tpu.memory_space<hbm>> -> memref<1x624x64xf32, #tpu.memory_space<hbm>>
      %dma_start3A_86 = tpu.memref_squeeze %dma_start3A_85 : memref<1x624x64xf32, #tpu.memory_space<hbm>> -> memref<624x64xf32, #tpu.memory_space<hbm>>
      %dma_start3A_87 = arith.constant 0 : i32
      %dma_start3A_88 = tpu.memref_slice %arg15[%multiple_of3A, %dma_start3A_87] : memref<10000x64xf32, #tpu.memory_space<vmem_shared>> -> memref<624x64xf32, #tpu.memory_space<vmem_shared>>
      tpu.enqueue_dma source(%dma_start3A_88 : memref<624x64xf32, #tpu.memory_space<vmem_shared>>) target(%dma_start3A_86 : memref<624x64xf32, #tpu.memory_space<hbm>>) target_semaphore(%run_scoped3A : memref<!tpu.dma_semaphore, #tpu.memory_space<semaphore_mem>>)
      %dma_wait3A = arith.constant 0 : i32
      %dma_wait3A_89 = tpu.memref_slice %arg6[%arg0, %multiple_of3A, %dma_wait3A] : memref<2x10000x128xf32, #tpu.memory_space<hbm>> -> memref<1x624x64xf32, #tpu.memory_space<hbm>>
      %dma_wait3A_90 = tpu.memref_squeeze %dma_wait3A_89 : memref<1x624x64xf32, #tpu.memory_space<hbm>> -> memref<624x64xf32, #tpu.memory_space<hbm>>
      %dma_wait3A_91 = arith.constant 0 : i32
      %dma_wait3A_92 = tpu.memref_slice %arg15[%multiple_of3A, %dma_wait3A_91] : memref<10000x64xf32, #tpu.memory_space<vmem_shared>> -> memref<624x64xf32, #tpu.memory_space<vmem_shared>>
      tpu.wait_dma2 semaphore(%run_scoped3A : memref<!tpu.dma_semaphore, #tpu.memory_space<semaphore_mem>>) src(%dma_wait3A_92 : memref<624x64xf32, #tpu.memory_space<vmem_shared>>) dst(%dma_wait3A_90 : memref<624x64xf32, #tpu.memory_space<hbm>>)
      tpu.yield
    }) : () -> ()
    %eq3A_79 = arith.constant 15 : i32
    %eq3A_80 = arith.cmpi eq, %arg1, %eq3A_79 : i32
    %convert_element_type3A_81 = arith.extui %eq3A_80 : i1 to i32
    %cond3A_82 = arith.constant 0 : i32
    %cond3A_83 = arith.cmpi ne, %convert_element_type3A_81, %cond3A_82 : i32
    scf.if %cond3A_83 {
      "tpu.region"() ({
        %run_scoped3A = tpu.sem_alloc : memref<!tpu.dma_semaphore, #tpu.memory_space<semaphore_mem>>
        %dma_start3A_84 = arith.constant 9984 : i32
        %dma_start3A_85 = arith.constant 0 : i32
        %dma_start3A_86 = tpu.memref_slice %arg6[%arg0, %dma_start3A_84, %dma_start3A_85] : memref<2x10000x128xf32, #tpu.memory_space<hbm>> -> memref<1x16x64xf32, #tpu.memory_space<hbm>>
        %dma_start3A_87 = tpu.memref_squeeze %dma_start3A_86 : memref<1x16x64xf32, #tpu.memory_space<hbm>> -> memref<16x64xf32, #tpu.memory_space<hbm>>
        %dma_start3A_88 = arith.constant 9984 : i32
        %dma_start3A_89 = arith.constant 0 : i32
        %dma_start3A_90 = tpu.memref_slice %arg15[%dma_start3A_88, %dma_start3A_89] : memref<10000x64xf32, #tpu.memory_space<vmem_shared>> -> memref<16x64xf32, #tpu.memory_space<vmem_shared>>
        tpu.enqueue_dma source(%dma_start3A_90 : memref<16x64xf32, #tpu.memory_space<vmem_shared>>) target(%dma_start3A_87 : memref<16x64xf32, #tpu.memory_space<hbm>>) target_semaphore(%run_scoped3A : memref<!tpu.dma_semaphore, #tpu.memory_space<semaphore_mem>>)
        %dma_wait3A = arith.constant 9984 : i32
        %dma_wait3A_91 = arith.constant 0 : i32
        %dma_wait3A_92 = tpu.memref_slice %arg6[%arg0, %dma_wait3A, %dma_wait3A_91] : memref<2x10000x128xf32, #tpu.memory_space<hbm>> -> memref<1x16x64xf32, #tpu.memory_space<hbm>>
        %dma_wait3A_93 = tpu.memref_squeeze %dma_wait3A_92 : memref<1x16x64xf32, #tpu.memory_space<hbm>> -> memref<16x64xf32, #tpu.memory_space<hbm>>
        %dma_wait3A_94 = arith.constant 9984 : i32
        %dma_wait3A_95 = arith.constant 0 : i32
        %dma_wait3A_96 = tpu.memref_slice %arg15[%dma_wait3A_94, %dma_wait3A_95] : memref<10000x64xf32, #tpu.memory_space<vmem_shared>> -> memref<16x64xf32, #tpu.memory_space<vmem_shared>>
        tpu.wait_dma2 semaphore(%run_scoped3A : memref<!tpu.dma_semaphore, #tpu.memory_space<semaphore_mem>>) src(%dma_wait3A_96 : memref<16x64xf32, #tpu.memory_space<vmem_shared>>) dst(%dma_wait3A_93 : memref<16x64xf32, #tpu.memory_space<hbm>>)
        tpu.yield
      }) : () -> ()
    } else {
    }
    return
  }
}

module attributes {stable_mosaic.version = 14 : i64} {
  func.func @_mlp_body(%arg0: memref<10000x128xf32, #tpu.memory_space<vmem>>, %arg1: memref<128x32xf32, #tpu.memory_space<vmem>>, %arg2: memref<1x32xf32, #tpu.memory_space<vmem>>, %arg3: memref<32x64xf32, #tpu.memory_space<vmem>>, %arg4: memref<1x64xf32, #tpu.memory_space<vmem>>, %arg5: memref<320000xi32, #tpu.memory_space<vmem>>, %arg6: memref<10000x64xf32, #tpu.memory_space<vmem>>, %arg7: memref<5000x128xf32, #tpu.memory_space<vmem>>, %arg8: memref<512x128xf32, #tpu.memory_space<vmem>>, %arg9: memref<320000xi32, #tpu.memory_space<vmem>>) attributes {dimension_semantics = [], scalar_prefetch = 0 : i64, scratch_operands = 0 : i64, tpu.core_type = #tpu.core_type<tc>} {
    %get3A = arith.constant 0 : index
    %get3A_0 = vector.load %arg5[%get3A] : memref<320000xi32, #tpu.memory_space<vmem>>, vector<320000xi32>
    %lt3A = arith.constant 5000 : i32
    %lt3A_1 = vector.broadcast %lt3A : i32 to vector<320000xi32>
    %lt3A_2 = arith.cmpi slt, %get3A_0, %lt3A_1 : vector<320000xi32>
    %mul3A = arith.constant 2 : i32
    %mul3A_3 = vector.broadcast %mul3A : i32 to vector<320000xi32>
    %mul3A_4 = arith.muli %mul3A_3, %get3A_0 : vector<320000xi32>
    %sub3A = arith.constant 5000 : i32
    %sub3A_5 = vector.broadcast %sub3A : i32 to vector<320000xi32>
    %sub3A_6 = arith.subi %get3A_0, %sub3A_5 : vector<320000xi32>
    %mul3A_7 = arith.constant 2 : i32
    %mul3A_8 = vector.broadcast %mul3A_7 : i32 to vector<320000xi32>
    %mul3A_9 = arith.muli %mul3A_8, %sub3A_6 : vector<320000xi32>
    %add3A = arith.constant 1 : i32
    %add3A_10 = vector.broadcast %add3A : i32 to vector<320000xi32>
    %add3A_11 = arith.addi %mul3A_9, %add3A_10 : vector<320000xi32>
    %select_n3A = arith.select %lt3A_2, %mul3A_4, %add3A_11 : vector<320000xi1>, vector<320000xi32>
    %swap3A = arith.constant 0 : index
    %swap3A_12 = vector.load %arg9[%swap3A] : memref<320000xi32, #tpu.memory_space<vmem>>, vector<320000xi32>
    tpu.vector_store %arg9[%swap3A], %select_n3A {strides = array<i32>} : memref<320000xi32, #tpu.memory_space<vmem>>, vector<320000xi32>,
    %get3A_13 = arith.constant 0 : index
    %get3A_14 = arith.constant 0 : index
    %get3A_15 = vector.load %arg0[%get3A_13, %get3A_14] : memref<10000x128xf32, #tpu.memory_space<vmem>>, vector<10000x128xf32>
    %get3A_16 = arith.constant 0 : index
    %get3A_17 = arith.constant 0 : index
    %get3A_18 = vector.load %arg1[%get3A_16, %get3A_17] : memref<128x32xf32, #tpu.memory_space<vmem>>, vector<128x32xf32>
    %dot_general3A = arith.constant dense<0.000000e+00> : vector<10000x32xf32>
    %dot_general3A_19 = tpu.matmul %get3A_15, %get3A_18, %dot_general3A {dimension_numbers = #tpu.dot_dimension_numbers<[1], [0], [0], [1], [0, 0, 1, 1], [], []>, transpose_lhs_hint = false} : vector<10000x128xf32>, vector<128x32xf32>, vector<10000x32xf32> -> vector<10000x32xf32>
    %get3A_20 = arith.constant 0 : index
    %get3A_21 = arith.constant 0 : index
    %get3A_22 = vector.load %arg2[%get3A_20, %get3A_21] : memref<1x32xf32, #tpu.memory_space<vmem>>, vector<1x32xf32>
    %get3A_23 = vector.shape_cast %get3A_22 : vector<1x32xf32> to vector<32xf32>
    %broadcast_in_dim3A = vector.shape_cast %get3A_23 : vector<32xf32> to vector<1x32xf32>
    %add3A_24 = vector.broadcast %broadcast_in_dim3A : vector<1x32xf32> to vector<10000x32xf32>
    %add3A_25 = arith.addf %dot_general3A_19, %add3A_24 : vector<10000x32xf32>
    %max3A = arith.constant 0.000000e+00 : f32
    %max3A_26 = vector.broadcast %max3A : f32 to vector<10000x32xf32>
    %max3A_27 = arith.maximumf %add3A_25, %max3A_26 : vector<10000x32xf32>
    %get3A_28 = arith.constant 0 : index
    %get3A_29 = arith.constant 0 : index
    %get3A_30 = vector.load %arg3[%get3A_28, %get3A_29] : memref<32x64xf32, #tpu.memory_space<vmem>>, vector<32x64xf32>
    %dot_general3A_31 = arith.constant dense<0.000000e+00> : vector<10000x64xf32>
    %dot_general3A_32 = tpu.matmul %max3A_27, %get3A_30, %dot_general3A_31 {dimension_numbers = #tpu.dot_dimension_numbers<[1], [0], [0], [1], [0, 0, 1, 1], [], []>, transpose_lhs_hint = false} : vector<10000x32xf32>, vector<32x64xf32>, vector<10000x64xf32> -> vector<10000x64xf32>
    %get3A_33 = arith.constant 0 : index
    %get3A_34 = arith.constant 0 : index
    %get3A_35 = vector.load %arg4[%get3A_33, %get3A_34] : memref<1x64xf32, #tpu.memory_space<vmem>>, vector<1x64xf32>
    %get3A_36 = vector.shape_cast %get3A_35 : vector<1x64xf32> to vector<64xf32>
    %broadcast_in_dim3A_37 = vector.shape_cast %get3A_36 : vector<64xf32> to vector<1x64xf32>
    %add3A_38 = vector.broadcast %broadcast_in_dim3A_37 : vector<1x64xf32> to vector<10000x64xf32>
    %add3A_39 = arith.addf %dot_general3A_32, %add3A_38 : vector<10000x64xf32>
    %reduce_max3A = arith.constant dense<0xFF800000> : vector<10000xf32>
    %reduce_max3A_40 = vector.multi_reduction <maximumf>, %add3A_39, %reduce_max3A [1] : vector<10000x64xf32> to vector<10000xf32>
    %broadcast_in_dim3A_41 = vector.shape_cast %reduce_max3A_40 : vector<10000xf32> to vector<10000x1xf32>
    %sub3A_42 = vector.broadcast %broadcast_in_dim3A_41 : vector<10000x1xf32> to vector<10000x64xf32>
    %sub3A_43 = arith.subf %add3A_39, %sub3A_42 : vector<10000x64xf32>
    %exp3A = math.exp %sub3A_43 : vector<10000x64xf32>
    %reduce_sum3A = arith.constant dense<0.000000e+00> : vector<10000xf32>
    %reduce_sum3A_44 = vector.multi_reduction <add>, %exp3A, %reduce_sum3A [1] : vector<10000x64xf32> to vector<10000xf32>
    %broadcast_in_dim3A_45 = vector.shape_cast %reduce_sum3A_44 : vector<10000xf32> to vector<10000x1xf32>
    %div3A = vector.broadcast %broadcast_in_dim3A_45 : vector<10000x1xf32> to vector<10000x64xf32>
    %div3A_46 = arith.divf %exp3A, %div3A : vector<10000x64xf32>
    %swap3A_47 = arith.constant 0 : index
    %swap3A_48 = arith.constant 0 : index
    %swap3A_49 = vector.load %arg6[%swap3A_47, %swap3A_48] : memref<10000x64xf32, #tpu.memory_space<vmem>>, vector<10000x64xf32>
    tpu.vector_store %arg6[%swap3A_47, %swap3A_48], %div3A_46 {strides = array<i32>} : memref<10000x64xf32, #tpu.memory_space<vmem>>, vector<10000x64xf32>,
    %slice3A = vector.extract_strided_slice %div3A_46 {offsets = [0, 0], sizes = [5000, 64], strides = [1, 1]} : vector<10000x64xf32> to vector<5000x64xf32>
    %slice3A_50 = vector.extract_strided_slice %div3A_46 {offsets = [5000, 0], sizes = [5000, 64], strides = [1, 1]} : vector<10000x64xf32> to vector<5000x64xf32>
    %concatenate3A = tpu.concatenate %slice3A, %slice3A_50 in 1 : vector<5000x64xf32>, vector<5000x64xf32> -> vector<5000x128xf32>
    %swap3A_51 = arith.constant 0 : index
    %swap3A_52 = arith.constant 0 : index
    %swap3A_53 = vector.load %arg7[%swap3A_51, %swap3A_52] : memref<5000x128xf32, #tpu.memory_space<vmem>>, vector<5000x128xf32>
    tpu.vector_store %arg7[%swap3A_51, %swap3A_52], %concatenate3A {strides = array<i32>} : memref<5000x128xf32, #tpu.memory_space<vmem>>, vector<5000x128xf32>,
    %slice3A_54 = vector.extract_strided_slice %div3A_46 {offsets = [0, 0], sizes = [1250, 64], strides = [1, 1]} : vector<10000x64xf32> to vector<1250x64xf32>
    %slice3A_55 = vector.extract_strided_slice %get3A_15 {offsets = [0, 0], sizes = [1250, 128], strides = [1, 1]} : vector<10000x128xf32> to vector<1250x128xf32>
    %dot_general3A_56 = arith.constant dense<0.000000e+00> : vector<64x128xf32>
    %dot_general3A_57 = tpu.matmul %slice3A_54, %slice3A_55, %dot_general3A_56 {dimension_numbers = #tpu.dot_dimension_numbers<[0], [0], [1], [1], [0, 1, 1, 1], [], []>, transpose_lhs_hint = true} : vector<1250x64xf32>, vector<1250x128xf32>, vector<64x128xf32> -> vector<64x128xf32>
    %swap3A_58 = arith.constant 0 : index
    %swap3A_59 = arith.constant 0 : index
    %swap3A_60 = vector.load %arg8[%swap3A_58, %swap3A_59] : memref<512x128xf32, #tpu.memory_space<vmem>>, vector<64x128xf32>
    tpu.vector_store %arg8[%swap3A_58, %swap3A_59], %dot_general3A_57 {strides = array<i32>} : memref<512x128xf32, #tpu.memory_space<vmem>>, vector<64x128xf32>,
    %slice3A_61 = vector.extract_strided_slice %div3A_46 {offsets = [1250, 0], sizes = [1250, 64], strides = [1, 1]} : vector<10000x64xf32> to vector<1250x64xf32>
    %slice3A_62 = vector.extract_strided_slice %get3A_15 {offsets = [1250, 0], sizes = [1250, 128], strides = [1, 1]} : vector<10000x128xf32> to vector<1250x128xf32>
    %dot_general3A_63 = arith.constant dense<0.000000e+00> : vector<64x128xf32>
    %dot_general3A_64 = tpu.matmul %slice3A_61, %slice3A_62, %dot_general3A_63 {dimension_numbers = #tpu.dot_dimension_numbers<[0], [0], [1], [1], [0, 1, 1, 1], [], []>, transpose_lhs_hint = true} : vector<1250x64xf32>, vector<1250x128xf32>, vector<64x128xf32> -> vector<64x128xf32>
    %swap3A_65 = arith.constant 64 : index
    %swap3A_66 = arith.constant 0 : index
    %swap3A_67 = vector.load %arg8[%swap3A_65, %swap3A_66] : memref<512x128xf32, #tpu.memory_space<vmem>>, vector<64x128xf32>
    tpu.vector_store %arg8[%swap3A_65, %swap3A_66], %dot_general3A_64 {strides = array<i32>} : memref<512x128xf32, #tpu.memory_space<vmem>>, vector<64x128xf32>,
    %slice3A_68 = vector.extract_strided_slice %div3A_46 {offsets = [2500, 0], sizes = [1250, 64], strides = [1, 1]} : vector<10000x64xf32> to vector<1250x64xf32>
    %slice3A_69 = vector.extract_strided_slice %get3A_15 {offsets = [2500, 0], sizes = [1250, 128], strides = [1, 1]} : vector<10000x128xf32> to vector<1250x128xf32>
    %dot_general3A_70 = arith.constant dense<0.000000e+00> : vector<64x128xf32>
    %dot_general3A_71 = tpu.matmul %slice3A_68, %slice3A_69, %dot_general3A_70 {dimension_numbers = #tpu.dot_dimension_numbers<[0], [0], [1], [1], [0, 1, 1, 1], [], []>, transpose_lhs_hint = true} : vector<1250x64xf32>, vector<1250x128xf32>, vector<64x128xf32> -> vector<64x128xf32>
    %swap3A_72 = arith.constant 128 : index
    %swap3A_73 = arith.constant 0 : index
    %swap3A_74 = vector.load %arg8[%swap3A_72, %swap3A_73] : memref<512x128xf32, #tpu.memory_space<vmem>>, vector<64x128xf32>
    tpu.vector_store %arg8[%swap3A_72, %swap3A_73], %dot_general3A_71 {strides = array<i32>} : memref<512x128xf32, #tpu.memory_space<vmem>>, vector<64x128xf32>,
    %slice3A_75 = vector.extract_strided_slice %div3A_46 {offsets = [3750, 0], sizes = [1250, 64], strides = [1, 1]} : vector<10000x64xf32> to vector<1250x64xf32>
    %slice3A_76 = vector.extract_strided_slice %get3A_15 {offsets = [3750, 0], sizes = [1250, 128], strides = [1, 1]} : vector<10000x128xf32> to vector<1250x128xf32>
    %dot_general3A_77 = arith.constant dense<0.000000e+00> : vector<64x128xf32>
    %dot_general3A_78 = tpu.matmul %slice3A_75, %slice3A_76, %dot_general3A_77 {dimension_numbers = #tpu.dot_dimension_numbers<[0], [0], [1], [1], [0, 1, 1, 1], [], []>, transpose_lhs_hint = true} : vector<1250x64xf32>, vector<1250x128xf32>, vector<64x128xf32> -> vector<64x128xf32>
    %swap3A_79 = arith.constant 192 : index
    %swap3A_80 = arith.constant 0 : index
    %swap3A_81 = vector.load %arg8[%swap3A_79, %swap3A_80] : memref<512x128xf32, #tpu.memory_space<vmem>>, vector<64x128xf32>
    tpu.vector_store %arg8[%swap3A_79, %swap3A_80], %dot_general3A_78 {strides = array<i32>} : memref<512x128xf32, #tpu.memory_space<vmem>>, vector<64x128xf32>,
    %slice3A_82 = vector.extract_strided_slice %div3A_46 {offsets = [5000, 0], sizes = [1250, 64], strides = [1, 1]} : vector<10000x64xf32> to vector<1250x64xf32>
    %slice3A_83 = vector.extract_strided_slice %get3A_15 {offsets = [5000, 0], sizes = [1250, 128], strides = [1, 1]} : vector<10000x128xf32> to vector<1250x128xf32>
    %dot_general3A_84 = arith.constant dense<0.000000e+00> : vector<64x128xf32>
    %dot_general3A_85 = tpu.matmul %slice3A_82, %slice3A_83, %dot_general3A_84 {dimension_numbers = #tpu.dot_dimension_numbers<[0], [0], [1], [1], [0, 1, 1, 1], [], []>, transpose_lhs_hint = true} : vector<1250x64xf32>, vector<1250x128xf32>, vector<64x128xf32> -> vector<64x128xf32>
    %swap3A_86 = arith.constant 256 : index
    %swap3A_87 = arith.constant 0 : index
    %swap3A_88 = vector.load %arg8[%swap3A_86, %swap3A_87] : memref<512x128xf32, #tpu.memory_space<vmem>>, vector<64x128xf32>
    tpu.vector_store %arg8[%swap3A_86, %swap3A_87], %dot_general3A_85 {strides = array<i32>} : memref<512x128xf32, #tpu.memory_space<vmem>>, vector<64x128xf32>,
    %slice3A_89 = vector.extract_strided_slice %div3A_46 {offsets = [6250, 0], sizes = [1250, 64], strides = [1, 1]} : vector<10000x64xf32> to vector<1250x64xf32>
    %slice3A_90 = vector.extract_strided_slice %get3A_15 {offsets = [6250, 0], sizes = [1250, 128], strides = [1, 1]} : vector<10000x128xf32> to vector<1250x128xf32>
    %dot_general3A_91 = arith.constant dense<0.000000e+00> : vector<64x128xf32>
    %dot_general3A_92 = tpu.matmul %slice3A_89, %slice3A_90, %dot_general3A_91 {dimension_numbers = #tpu.dot_dimension_numbers<[0], [0], [1], [1], [0, 1, 1, 1], [], []>, transpose_lhs_hint = true} : vector<1250x64xf32>, vector<1250x128xf32>, vector<64x128xf32> -> vector<64x128xf32>
    %swap3A_93 = arith.constant 320 : index
    %swap3A_94 = arith.constant 0 : index
    %swap3A_95 = vector.load %arg8[%swap3A_93, %swap3A_94] : memref<512x128xf32, #tpu.memory_space<vmem>>, vector<64x128xf32>
    tpu.vector_store %arg8[%swap3A_93, %swap3A_94], %dot_general3A_92 {strides = array<i32>} : memref<512x128xf32, #tpu.memory_space<vmem>>, vector<64x128xf32>,
    %slice3A_96 = vector.extract_strided_slice %div3A_46 {offsets = [7500, 0], sizes = [1250, 64], strides = [1, 1]} : vector<10000x64xf32> to vector<1250x64xf32>
    %slice3A_97 = vector.extract_strided_slice %get3A_15 {offsets = [7500, 0], sizes = [1250, 128], strides = [1, 1]} : vector<10000x128xf32> to vector<1250x128xf32>
    %dot_general3A_98 = arith.constant dense<0.000000e+00> : vector<64x128xf32>
    %dot_general3A_99 = tpu.matmul %slice3A_96, %slice3A_97, %dot_general3A_98 {dimension_numbers = #tpu.dot_dimension_numbers<[0], [0], [1], [1], [0, 1, 1, 1], [], []>, transpose_lhs_hint = true} : vector<1250x64xf32>, vector<1250x128xf32>, vector<64x128xf32> -> vector<64x128xf32>
    %swap3A_100 = arith.constant 384 : index
    %swap3A_101 = arith.constant 0 : index
    %swap3A_102 = vector.load %arg8[%swap3A_100, %swap3A_101] : memref<512x128xf32, #tpu.memory_space<vmem>>, vector<64x128xf32>
    tpu.vector_store %arg8[%swap3A_100, %swap3A_101], %dot_general3A_99 {strides = array<i32>} : memref<512x128xf32, #tpu.memory_space<vmem>>, vector<64x128xf32>,
    %slice3A_103 = vector.extract_strided_slice %div3A_46 {offsets = [8750, 0], sizes = [1250, 64], strides = [1, 1]} : vector<10000x64xf32> to vector<1250x64xf32>
    %slice3A_104 = vector.extract_strided_slice %get3A_15 {offsets = [8750, 0], sizes = [1250, 128], strides = [1, 1]} : vector<10000x128xf32> to vector<1250x128xf32>
    %dot_general3A_105 = arith.constant dense<0.000000e+00> : vector<64x128xf32>
    %dot_general3A_106 = tpu.matmul %slice3A_103, %slice3A_104, %dot_general3A_105 {dimension_numbers = #tpu.dot_dimension_numbers<[0], [0], [1], [1], [0, 1, 1, 1], [], []>, transpose_lhs_hint = true} : vector<1250x64xf32>, vector<1250x128xf32>, vector<64x128xf32> -> vector<64x128xf32>
    %swap3A_107 = arith.constant 448 : index
    %swap3A_108 = arith.constant 0 : index
    %swap3A_109 = vector.load %arg8[%swap3A_107, %swap3A_108] : memref<512x128xf32, #tpu.memory_space<vmem>>, vector<64x128xf32>
    tpu.vector_store %arg8[%swap3A_107, %swap3A_108], %dot_general3A_106 {strides = array<i32>} : memref<512x128xf32, #tpu.memory_space<vmem>>, vector<64x128xf32>,
    return
  }
}

module attributes {stable_mosaic.version = 14 : i64} {
  func.func @_adj_body(%arg0: memref<10000x64xf32, #tpu.memory_space<vmem>>, %arg1: memref<2x10000x128xf32, #tpu.memory_space<vmem>>, %arg2: memref<512x16xf32, #tpu.memory_space<vmem>>, %arg3: memref<512x16xi32, #tpu.memory_space<vmem>>) attributes {dimension_semantics = [], scalar_prefetch = 0 : i64, scratch_operands = 0 : i64, tpu.core_type = #tpu.core_type<tc>} {
    %get3A = arith.constant 0 : index
    %get3A_0 = arith.constant 0 : index
    %get3A_1 = arith.constant 0 : index
    %get3A_2 = vector.load %arg1[%get3A, %get3A_0, %get3A_1] : memref<2x10000x128xf32, #tpu.memory_space<vmem>>, vector<1x10000x64xf32>
    %get3A_3 = vector.shape_cast %get3A_2 : vector<1x10000x64xf32> to vector<10000x64xf32>
    %get3A_4 = arith.constant 1 : index
    %get3A_5 = arith.constant 0 : index
    %get3A_6 = arith.constant 0 : index
    %get3A_7 = vector.load %arg1[%get3A_4, %get3A_5, %get3A_6] : memref<2x10000x128xf32, #tpu.memory_space<vmem>>, vector<1x10000x64xf32>
    %get3A_8 = vector.shape_cast %get3A_7 : vector<1x10000x64xf32> to vector<10000x64xf32>
    %add3A = arith.addf %get3A_3, %get3A_8 : vector<10000x64xf32>
    %get3A_9 = arith.constant 0 : index
    %get3A_10 = arith.constant 0 : index
    %get3A_11 = vector.load %arg0[%get3A_9, %get3A_10] : memref<10000x64xf32, #tpu.memory_space<vmem>>, vector<10000x64xf32>
    %slice3A = vector.extract_strided_slice %get3A_11 {offsets = [0, 0], sizes = [1250, 64], strides = [1, 1]} : vector<10000x64xf32> to vector<1250x64xf32>
    %slice3A_12 = vector.extract_strided_slice %add3A {offsets = [0, 0], sizes = [1250, 64], strides = [1, 1]} : vector<10000x64xf32> to vector<1250x64xf32>
    %dot_general3A = arith.constant dense<0.000000e+00> : vector<64x64xf32>
    %dot_general3A_13 = tpu.matmul %slice3A, %slice3A_12, %dot_general3A {dimension_numbers = #tpu.dot_dimension_numbers<[0], [0], [1], [1], [0, 1, 1, 1], [], []>, transpose_lhs_hint = true} : vector<1250x64xf32>, vector<1250x64xf32>, vector<64x64xf32> -> vector<64x64xf32>
    %slice3A_14 = vector.extract_strided_slice %get3A_11 {offsets = [1250, 0], sizes = [1250, 64], strides = [1, 1]} : vector<10000x64xf32> to vector<1250x64xf32>
    %slice3A_15 = vector.extract_strided_slice %add3A {offsets = [1250, 0], sizes = [1250, 64], strides = [1, 1]} : vector<10000x64xf32> to vector<1250x64xf32>
    %dot_general3A_16 = arith.constant dense<0.000000e+00> : vector<64x64xf32>
    %dot_general3A_17 = tpu.matmul %slice3A_14, %slice3A_15, %dot_general3A_16 {dimension_numbers = #tpu.dot_dimension_numbers<[0], [0], [1], [1], [0, 1, 1, 1], [], []>, transpose_lhs_hint = true} : vector<1250x64xf32>, vector<1250x64xf32>, vector<64x64xf32> -> vector<64x64xf32>
    %slice3A_18 = vector.extract_strided_slice %get3A_11 {offsets = [2500, 0], sizes = [1250, 64], strides = [1, 1]} : vector<10000x64xf32> to vector<1250x64xf32>
    %slice3A_19 = vector.extract_strided_slice %add3A {offsets = [2500, 0], sizes = [1250, 64], strides = [1, 1]} : vector<10000x64xf32> to vector<1250x64xf32>
    %dot_general3A_20 = arith.constant dense<0.000000e+00> : vector<64x64xf32>
    %dot_general3A_21 = tpu.matmul %slice3A_18, %slice3A_19, %dot_general3A_20 {dimension_numbers = #tpu.dot_dimension_numbers<[0], [0], [1], [1], [0, 1, 1, 1], [], []>, transpose_lhs_hint = true} : vector<1250x64xf32>, vector<1250x64xf32>, vector<64x64xf32> -> vector<64x64xf32>
    %slice3A_22 = vector.extract_strided_slice %get3A_11 {offsets = [3750, 0], sizes = [1250, 64], strides = [1, 1]} : vector<10000x64xf32> to vector<1250x64xf32>
    %slice3A_23 = vector.extract_strided_slice %add3A {offsets = [3750, 0], sizes = [1250, 64], strides = [1, 1]} : vector<10000x64xf32> to vector<1250x64xf32>
    %dot_general3A_24 = arith.constant dense<0.000000e+00> : vector<64x64xf32>
    %dot_general3A_25 = tpu.matmul %slice3A_22, %slice3A_23, %dot_general3A_24 {dimension_numbers = #tpu.dot_dimension_numbers<[0], [0], [1], [1], [0, 1, 1, 1], [], []>, transpose_lhs_hint = true} : vector<1250x64xf32>, vector<1250x64xf32>, vector<64x64xf32> -> vector<64x64xf32>
    %slice3A_26 = vector.extract_strided_slice %get3A_11 {offsets = [5000, 0], sizes = [1250, 64], strides = [1, 1]} : vector<10000x64xf32> to vector<1250x64xf32>
    %slice3A_27 = vector.extract_strided_slice %add3A {offsets = [5000, 0], sizes = [1250, 64], strides = [1, 1]} : vector<10000x64xf32> to vector<1250x64xf32>
    %dot_general3A_28 = arith.constant dense<0.000000e+00> : vector<64x64xf32>
    %dot_general3A_29 = tpu.matmul %slice3A_26, %slice3A_27, %dot_general3A_28 {dimension_numbers = #tpu.dot_dimension_numbers<[0], [0], [1], [1], [0, 1, 1, 1], [], []>, transpose_lhs_hint = true} : vector<1250x64xf32>, vector<1250x64xf32>, vector<64x64xf32> -> vector<64x64xf32>
    %slice3A_30 = vector.extract_strided_slice %get3A_11 {offsets = [6250, 0], sizes = [1250, 64], strides = [1, 1]} : vector<10000x64xf32> to vector<1250x64xf32>
    %slice3A_31 = vector.extract_strided_slice %add3A {offsets = [6250, 0], sizes = [1250, 64], strides = [1, 1]} : vector<10000x64xf32> to vector<1250x64xf32>
    %dot_general3A_32 = arith.constant dense<0.000000e+00> : vector<64x64xf32>
    %dot_general3A_33 = tpu.matmul %slice3A_30, %slice3A_31, %dot_general3A_32 {dimension_numbers = #tpu.dot_dimension_numbers<[0], [0], [1], [1], [0, 1, 1, 1], [], []>, transpose_lhs_hint = true} : vector<1250x64xf32>, vector<1250x64xf32>, vector<64x64xf32> -> vector<64x64xf32>
    %slice3A_34 = vector.extract_strided_slice %get3A_11 {offsets = [7500, 0], sizes = [1250, 64], strides = [1, 1]} : vector<10000x64xf32> to vector<1250x64xf32>
    %slice3A_35 = vector.extract_strided_slice %add3A {offsets = [7500, 0], sizes = [1250, 64], strides = [1, 1]} : vector<10000x64xf32> to vector<1250x64xf32>
    %dot_general3A_36 = arith.constant dense<0.000000e+00> : vector<64x64xf32>
    %dot_general3A_37 = tpu.matmul %slice3A_34, %slice3A_35, %dot_general3A_36 {dimension_numbers = #tpu.dot_dimension_numbers<[0], [0], [1], [1], [0, 1, 1, 1], [], []>, transpose_lhs_hint = true} : vector<1250x64xf32>, vector<1250x64xf32>, vector<64x64xf32> -> vector<64x64xf32>
    %slice3A_38 = vector.extract_strided_slice %get3A_11 {offsets = [8750, 0], sizes = [1250, 64], strides = [1, 1]} : vector<10000x64xf32> to vector<1250x64xf32>
    %slice3A_39 = vector.extract_strided_slice %add3A {offsets = [8750, 0], sizes = [1250, 64], strides = [1, 1]} : vector<10000x64xf32> to vector<1250x64xf32>
    %dot_general3A_40 = arith.constant dense<0.000000e+00> : vector<64x64xf32>
    %dot_general3A_41 = tpu.matmul %slice3A_38, %slice3A_39, %dot_general3A_40 {dimension_numbers = #tpu.dot_dimension_numbers<[0], [0], [1], [1], [0, 1, 1, 1], [], []>, transpose_lhs_hint = true} : vector<1250x64xf32>, vector<1250x64xf32>, vector<64x64xf32> -> vector<64x64xf32>
    %concatenate3A = tpu.concatenate %dot_general3A_13, %dot_general3A_17, %dot_general3A_21, %dot_general3A_25, %dot_general3A_29, %dot_general3A_33, %dot_general3A_37, %dot_general3A_41 in 0 : vector<64x64xf32>, vector<64x64xf32>, vector<64x64xf32>, vector<64x64xf32>, vector<64x64xf32>, vector<64x64xf32>, vector<64x64xf32>, vector<64x64xf32> -> vector<512x64xf32>
    %iota3A = tpu.iota {dimensions = array<i32: 1>} : vector<512x64xi32>
    %reduce_max3A = arith.constant dense<0xFF800000> : vector<512xf32>
    %reduce_max3A_42 = vector.multi_reduction <maximumf>, %concatenate3A, %reduce_max3A [1] : vector<512x64xf32> to vector<512xf32>
    %broadcast_in_dim3A = vector.shape_cast %reduce_max3A_42 : vector<512xf32> to vector<512x1xf32>
    %argmax3A = tpu.reduce_index %concatenate3A {axis = 1 : i32, kind = #tpu.reduction_kind<arg_max>} : vector<512x64xf32> -> vector<512xi32>
    %broadcast_in_dim3A_43 = vector.shape_cast %argmax3A : vector<512xi32> to vector<512x1xi32>
    %eq3A = vector.broadcast %broadcast_in_dim3A_43 : vector<512x1xi32> to vector<512x64xi32>
    %eq3A_44 = arith.cmpi eq, %iota3A, %eq3A : vector<512x64xi32>
    %jit3A = arith.constant -3.40282347E+38 : f32
    %broadcast_in_dim3A_45 = vector.broadcast %jit3A : f32 to vector<512x64xf32>
    %select_n3A = arith.select %eq3A_44, %broadcast_in_dim3A_45, %concatenate3A : vector<512x64xi1>, vector<512x64xf32>
    %reduce_max3A_46 = arith.constant dense<0xFF800000> : vector<512xf32>
    %reduce_max3A_47 = vector.multi_reduction <maximumf>, %select_n3A, %reduce_max3A_46 [1] : vector<512x64xf32> to vector<512xf32>
    %broadcast_in_dim3A_48 = vector.shape_cast %reduce_max3A_47 : vector<512xf32> to vector<512x1xf32>
    %argmax3A_49 = tpu.reduce_index %select_n3A {axis = 1 : i32, kind = #tpu.reduction_kind<arg_max>} : vector<512x64xf32> -> vector<512xi32>
    %broadcast_in_dim3A_50 = vector.shape_cast %argmax3A_49 : vector<512xi32> to vector<512x1xi32>
    %eq3A_51 = vector.broadcast %broadcast_in_dim3A_50 : vector<512x1xi32> to vector<512x64xi32>
    %eq3A_52 = arith.cmpi eq, %iota3A, %eq3A_51 : vector<512x64xi32>
    %jit3A_53 = arith.constant -3.40282347E+38 : f32
    %broadcast_in_dim3A_54 = vector.broadcast %jit3A_53 : f32 to vector<512x64xf32>
    %select_n3A_55 = arith.select %eq3A_52, %broadcast_in_dim3A_54, %select_n3A : vector<512x64xi1>, vector<512x64xf32>
    %reduce_max3A_56 = arith.constant dense<0xFF800000> : vector<512xf32>
    %reduce_max3A_57 = vector.multi_reduction <maximumf>, %select_n3A_55, %reduce_max3A_56 [1] : vector<512x64xf32> to vector<512xf32>
    %broadcast_in_dim3A_58 = vector.shape_cast %reduce_max3A_57 : vector<512xf32> to vector<512x1xf32>
    %argmax3A_59 = tpu.reduce_index %select_n3A_55 {axis = 1 : i32, kind = #tpu.reduction_kind<arg_max>} : vector<512x64xf32> -> vector<512xi32>
    %broadcast_in_dim3A_60 = vector.shape_cast %argmax3A_59 : vector<512xi32> to vector<512x1xi32>
    %eq3A_61 = vector.broadcast %broadcast_in_dim3A_60 : vector<512x1xi32> to vector<512x64xi32>
    %eq3A_62 = arith.cmpi eq, %iota3A, %eq3A_61 : vector<512x64xi32>
    %jit3A_63 = arith.constant -3.40282347E+38 : f32
    %broadcast_in_dim3A_64 = vector.broadcast %jit3A_63 : f32 to vector<512x64xf32>
    %select_n3A_65 = arith.select %eq3A_62, %broadcast_in_dim3A_64, %select_n3A_55 : vector<512x64xi1>, vector<512x64xf32>
    %reduce_max3A_66 = arith.constant dense<0xFF800000> : vector<512xf32>
    %reduce_max3A_67 = vector.multi_reduction <maximumf>, %select_n3A_65, %reduce_max3A_66 [1] : vector<512x64xf32> to vector<512xf32>
    %broadcast_in_dim3A_68 = vector.shape_cast %reduce_max3A_67 : vector<512xf32> to vector<512x1xf32>
    %argmax3A_69 = tpu.reduce_index %select_n3A_65 {axis = 1 : i32, kind = #tpu.reduction_kind<arg_max>} : vector<512x64xf32> -> vector<512xi32>
    %broadcast_in_dim3A_70 = vector.shape_cast %argmax3A_69 : vector<512xi32> to vector<512x1xi32>
    %eq3A_71 = vector.broadcast %broadcast_in_dim3A_70 : vector<512x1xi32> to vector<512x64xi32>
    %eq3A_72 = arith.cmpi eq, %iota3A, %eq3A_71 : vector<512x64xi32>
    %jit3A_73 = arith.constant -3.40282347E+38 : f32
    %broadcast_in_dim3A_74 = vector.broadcast %jit3A_73 : f32 to vector<512x64xf32>
    %select_n3A_75 = arith.select %eq3A_72, %broadcast_in_dim3A_74, %select_n3A_65 : vector<512x64xi1>, vector<512x64xf32>
    %reduce_max3A_76 = arith.constant dense<0xFF800000> : vector<512xf32>
    %reduce_max3A_77 = vector.multi_reduction <maximumf>, %select_n3A_75, %reduce_max3A_76 [1] : vector<512x64xf32> to vector<512xf32>
    %broadcast_in_dim3A_78 = vector.shape_cast %reduce_max3A_77 : vector<512xf32> to vector<512x1xf32>
    %argmax3A_79 = tpu.reduce_index %select_n3A_75 {axis = 1 : i32, kind = #tpu.reduction_kind<arg_max>} : vector<512x64xf32> -> vector<512xi32>
    %broadcast_in_dim3A_80 = vector.shape_cast %argmax3A_79 : vector<512xi32> to vector<512x1xi32>
    %eq3A_81 = vector.broadcast %broadcast_in_dim3A_80 : vector<512x1xi32> to vector<512x64xi32>
    %eq3A_82 = arith.cmpi eq, %iota3A, %eq3A_81 : vector<512x64xi32>
    %jit3A_83 = arith.constant -3.40282347E+38 : f32
    %broadcast_in_dim3A_84 = vector.broadcast %jit3A_83 : f32 to vector<512x64xf32>
    %select_n3A_85 = arith.select %eq3A_82, %broadcast_in_dim3A_84, %select_n3A_75 : vector<512x64xi1>, vector<512x64xf32>
    %reduce_max3A_86 = arith.constant dense<0xFF800000> : vector<512xf32>
    %reduce_max3A_87 = vector.multi_reduction <maximumf>, %select_n3A_85, %reduce_max3A_86 [1] : vector<512x64xf32> to vector<512xf32>
    %broadcast_in_dim3A_88 = vector.shape_cast %reduce_max3A_87 : vector<512xf32> to vector<512x1xf32>
    %argmax3A_89 = tpu.reduce_index %select_n3A_85 {axis = 1 : i32, kind = #tpu.reduction_kind<arg_max>} : vector<512x64xf32> -> vector<512xi32>
    %broadcast_in_dim3A_90 = vector.shape_cast %argmax3A_89 : vector<512xi32> to vector<512x1xi32>
    %eq3A_91 = vector.broadcast %broadcast_in_dim3A_90 : vector<512x1xi32> to vector<512x64xi32>
    %eq3A_92 = arith.cmpi eq, %iota3A, %eq3A_91 : vector<512x64xi32>
    %jit3A_93 = arith.constant -3.40282347E+38 : f32
    %broadcast_in_dim3A_94 = vector.broadcast %jit3A_93 : f32 to vector<512x64xf32>
    %select_n3A_95 = arith.select %eq3A_92, %broadcast_in_dim3A_94, %select_n3A_85 : vector<512x64xi1>, vector<512x64xf32>
    %reduce_max3A_96 = arith.constant dense<0xFF800000> : vector<512xf32>
    %reduce_max3A_97 = vector.multi_reduction <maximumf>, %select_n3A_95, %reduce_max3A_96 [1] : vector<512x64xf32> to vector<512xf32>
    %broadcast_in_dim3A_98 = vector.shape_cast %reduce_max3A_97 : vector<512xf32> to vector<512x1xf32>
    %argmax3A_99 = tpu.reduce_index %select_n3A_95 {axis = 1 : i32, kind = #tpu.reduction_kind<arg_max>} : vector<512x64xf32> -> vector<512xi32>
    %broadcast_in_dim3A_100 = vector.shape_cast %argmax3A_99 : vector<512xi32> to vector<512x1xi32>
    %eq3A_101 = vector.broadcast %broadcast_in_dim3A_100 : vector<512x1xi32> to vector<512x64xi32>
    %eq3A_102 = arith.cmpi eq, %iota3A, %eq3A_101 : vector<512x64xi32>
    %jit3A_103 = arith.constant -3.40282347E+38 : f32
    %broadcast_in_dim3A_104 = vector.broadcast %jit3A_103 : f32 to vector<512x64xf32>
    %select_n3A_105 = arith.select %eq3A_102, %broadcast_in_dim3A_104, %select_n3A_95 : vector<512x64xi1>, vector<512x64xf32>
    %reduce_max3A_106 = arith.constant dense<0xFF800000> : vector<512xf32>
    %reduce_max3A_107 = vector.multi_reduction <maximumf>, %select_n3A_105, %reduce_max3A_106 [1] : vector<512x64xf32> to vector<512xf32>
    %broadcast_in_dim3A_108 = vector.shape_cast %reduce_max3A_107 : vector<512xf32> to vector<512x1xf32>
    %argmax3A_109 = tpu.reduce_index %select_n3A_105 {axis = 1 : i32, kind = #tpu.reduction_kind<arg_max>} : vector<512x64xf32> -> vector<512xi32>
    %broadcast_in_dim3A_110 = vector.shape_cast %argmax3A_109 : vector<512xi32> to vector<512x1xi32>
    %eq3A_111 = vector.broadcast %broadcast_in_dim3A_110 : vector<512x1xi32> to vector<512x64xi32>
    %eq3A_112 = arith.cmpi eq, %iota3A, %eq3A_111 : vector<512x64xi32>
    %jit3A_113 = arith.constant -3.40282347E+38 : f32
    %broadcast_in_dim3A_114 = vector.broadcast %jit3A_113 : f32 to vector<512x64xf32>
    %select_n3A_115 = arith.select %eq3A_112, %broadcast_in_dim3A_114, %select_n3A_105 : vector<512x64xi1>, vector<512x64xf32>
    %reduce_max3A_116 = arith.constant dense<0xFF800000> : vector<512xf32>
    %reduce_max3A_117 = vector.multi_reduction <maximumf>, %select_n3A_115, %reduce_max3A_116 [1] : vector<512x64xf32> to vector<512xf32>
    %broadcast_in_dim3A_118 = vector.shape_cast %reduce_max3A_117 : vector<512xf32> to vector<512x1xf32>
    %argmax3A_119 = tpu.reduce_index %select_n3A_115 {axis = 1 : i32, kind = #tpu.reduction_kind<arg_max>} : vector<512x64xf32> -> vector<512xi32>
    %broadcast_in_dim3A_120 = vector.shape_cast %argmax3A_119 : vector<512xi32> to vector<512x1xi32>
    %eq3A_121 = vector.broadcast %broadcast_in_dim3A_120 : vector<512x1xi32> to vector<512x64xi32>
    %eq3A_122 = arith.cmpi eq, %iota3A, %eq3A_121 : vector<512x64xi32>
    %jit3A_123 = arith.constant -3.40282347E+38 : f32
    %broadcast_in_dim3A_124 = vector.broadcast %jit3A_123 : f32 to vector<512x64xf32>
    %select_n3A_125 = arith.select %eq3A_122, %broadcast_in_dim3A_124, %select_n3A_115 : vector<512x64xi1>, vector<512x64xf32>
    %reduce_max3A_126 = arith.constant dense<0xFF800000> : vector<512xf32>
    %reduce_max3A_127 = vector.multi_reduction <maximumf>, %select_n3A_125, %reduce_max3A_126 [1] : vector<512x64xf32> to vector<512xf32>
    %broadcast_in_dim3A_128 = vector.shape_cast %reduce_max3A_127 : vector<512xf32> to vector<512x1xf32>
    %argmax3A_129 = tpu.reduce_index %select_n3A_125 {axis = 1 : i32, kind = #tpu.reduction_kind<arg_max>} : vector<512x64xf32> -> vector<512xi32>
    %broadcast_in_dim3A_130 = vector.shape_cast %argmax3A_129 : vector<512xi32> to vector<512x1xi32>
    %eq3A_131 = vector.broadcast %broadcast_in_dim3A_130 : vector<512x1xi32> to vector<512x64xi32>
    %eq3A_132 = arith.cmpi eq, %iota3A, %eq3A_131 : vector<512x64xi32>
    %jit3A_133 = arith.constant -3.40282347E+38 : f32
    %broadcast_in_dim3A_134 = vector.broadcast %jit3A_133 : f32 to vector<512x64xf32>
    %select_n3A_135 = arith.select %eq3A_132, %broadcast_in_dim3A_134, %select_n3A_125 : vector<512x64xi1>, vector<512x64xf32>
    %reduce_max3A_136 = arith.constant dense<0xFF800000> : vector<512xf32>
    %reduce_max3A_137 = vector.multi_reduction <maximumf>, %select_n3A_135, %reduce_max3A_136 [1] : vector<512x64xf32> to vector<512xf32>
    %broadcast_in_dim3A_138 = vector.shape_cast %reduce_max3A_137 : vector<512xf32> to vector<512x1xf32>
    %argmax3A_139 = tpu.reduce_index %select_n3A_135 {axis = 1 : i32, kind = #tpu.reduction_kind<arg_max>} : vector<512x64xf32> -> vector<512xi32>
    %broadcast_in_dim3A_140 = vector.shape_cast %argmax3A_139 : vector<512xi32> to vector<512x1xi32>
    %eq3A_141 = vector.broadcast %broadcast_in_dim3A_140 : vector<512x1xi32> to vector<512x64xi32>
    %eq3A_142 = arith.cmpi eq, %iota3A, %eq3A_141 : vector<512x64xi32>
    %jit3A_143 = arith.constant -3.40282347E+38 : f32
    %broadcast_in_dim3A_144 = vector.broadcast %jit3A_143 : f32 to vector<512x64xf32>
    %select_n3A_145 = arith.select %eq3A_142, %broadcast_in_dim3A_144, %select_n3A_135 : vector<512x64xi1>, vector<512x64xf32>
    %reduce_max3A_146 = arith.constant dense<0xFF800000> : vector<512xf32>
    %reduce_max3A_147 = vector.multi_reduction <maximumf>, %select_n3A_145, %reduce_max3A_146 [1] : vector<512x64xf32> to vector<512xf32>
    %broadcast_in_dim3A_148 = vector.shape_cast %reduce_max3A_147 : vector<512xf32> to vector<512x1xf32>
    %argmax3A_149 = tpu.reduce_index %select_n3A_145 {axis = 1 : i32, kind = #tpu.reduction_kind<arg_max>} : vector<512x64xf32> -> vector<512xi32>
    %broadcast_in_dim3A_150 = vector.shape_cast %argmax3A_149 : vector<512xi32> to vector<512x1xi32>
    %eq3A_151 = vector.broadcast %broadcast_in_dim3A_150 : vector<512x1xi32> to vector<512x64xi32>
    %eq3A_152 = arith.cmpi eq, %iota3A, %eq3A_151 : vector<512x64xi32>
    %jit3A_153 = arith.constant -3.40282347E+38 : f32
    %broadcast_in_dim3A_154 = vector.broadcast %jit3A_153 : f32 to vector<512x64xf32>
    %select_n3A_155 = arith.select %eq3A_152, %broadcast_in_dim3A_154, %select_n3A_145 : vector<512x64xi1>, vector<512x64xf32>
    %reduce_max3A_156 = arith.constant dense<0xFF800000> : vector<512xf32>
    %reduce_max3A_157 = vector.multi_reduction <maximumf>, %select_n3A_155, %reduce_max3A_156 [1] : vector<512x64xf32> to vector<512xf32>
    %broadcast_in_dim3A_158 = vector.shape_cast %reduce_max3A_157 : vector<512xf32> to vector<512x1xf32>
    %argmax3A_159 = tpu.reduce_index %select_n3A_155 {axis = 1 : i32, kind = #tpu.reduction_kind<arg_max>} : vector<512x64xf32> -> vector<512xi32>
    %broadcast_in_dim3A_160 = vector.shape_cast %argmax3A_159 : vector<512xi32> to vector<512x1xi32>
    %eq3A_161 = vector.broadcast %broadcast_in_dim3A_160 : vector<512x1xi32> to vector<512x64xi32>
    %eq3A_162 = arith.cmpi eq, %iota3A, %eq3A_161 : vector<512x64xi32>
    %jit3A_163 = arith.constant -3.40282347E+38 : f32
    %broadcast_in_dim3A_164 = vector.broadcast %jit3A_163 : f32 to vector<512x64xf32>
    %select_n3A_165 = arith.select %eq3A_162, %broadcast_in_dim3A_164, %select_n3A_155 : vector<512x64xi1>, vector<512x64xf32>
    %reduce_max3A_166 = arith.constant dense<0xFF800000> : vector<512xf32>
    %reduce_max3A_167 = vector.multi_reduction <maximumf>, %select_n3A_165, %reduce_max3A_166 [1] : vector<512x64xf32> to vector<512xf32>
    %broadcast_in_dim3A_168 = vector.shape_cast %reduce_max3A_167 : vector<512xf32> to vector<512x1xf32>
    %argmax3A_169 = tpu.reduce_index %select_n3A_165 {axis = 1 : i32, kind = #tpu.reduction_kind<arg_max>} : vector<512x64xf32> -> vector<512xi32>
    %broadcast_in_dim3A_170 = vector.shape_cast %argmax3A_169 : vector<512xi32> to vector<512x1xi32>
    %eq3A_171 = vector.broadcast %broadcast_in_dim3A_170 : vector<512x1xi32> to vector<512x64xi32>
    %eq3A_172 = arith.cmpi eq, %iota3A, %eq3A_171 : vector<512x64xi32>
    %jit3A_173 = arith.constant -3.40282347E+38 : f32
    %broadcast_in_dim3A_174 = vector.broadcast %jit3A_173 : f32 to vector<512x64xf32>
    %select_n3A_175 = arith.select %eq3A_172, %broadcast_in_dim3A_174, %select_n3A_165 : vector<512x64xi1>, vector<512x64xf32>
    %reduce_max3A_176 = arith.constant dense<0xFF800000> : vector<512xf32>
    %reduce_max3A_177 = vector.multi_reduction <maximumf>, %select_n3A_175, %reduce_max3A_176 [1] : vector<512x64xf32> to vector<512xf32>
    %broadcast_in_dim3A_178 = vector.shape_cast %reduce_max3A_177 : vector<512xf32> to vector<512x1xf32>
    %argmax3A_179 = tpu.reduce_index %select_n3A_175 {axis = 1 : i32, kind = #tpu.reduction_kind<arg_max>} : vector<512x64xf32> -> vector<512xi32>
    %broadcast_in_dim3A_180 = vector.shape_cast %argmax3A_179 : vector<512xi32> to vector<512x1xi32>
    %eq3A_181 = vector.broadcast %broadcast_in_dim3A_180 : vector<512x1xi32> to vector<512x64xi32>
    %eq3A_182 = arith.cmpi eq, %iota3A, %eq3A_181 : vector<512x64xi32>
    %jit3A_183 = arith.constant -3.40282347E+38 : f32
    %broadcast_in_dim3A_184 = vector.broadcast %jit3A_183 : f32 to vector<512x64xf32>
    %select_n3A_185 = arith.select %eq3A_182, %broadcast_in_dim3A_184, %select_n3A_175 : vector<512x64xi1>, vector<512x64xf32>
    %reduce_max3A_186 = arith.constant dense<0xFF800000> : vector<512xf32>
    %reduce_max3A_187 = vector.multi_reduction <maximumf>, %select_n3A_185, %reduce_max3A_186 [1] : vector<512x64xf32> to vector<512xf32>
    %broadcast_in_dim3A_188 = vector.shape_cast %reduce_max3A_187 : vector<512xf32> to vector<512x1xf32>
    %argmax3A_189 = tpu.reduce_index %select_n3A_185 {axis = 1 : i32, kind = #tpu.reduction_kind<arg_max>} : vector<512x64xf32> -> vector<512xi32>
    %broadcast_in_dim3A_190 = vector.shape_cast %argmax3A_189 : vector<512xi32> to vector<512x1xi32>
    %concatenate3A_191 = tpu.concatenate %broadcast_in_dim3A, %broadcast_in_dim3A_48, %broadcast_in_dim3A_58, %broadcast_in_dim3A_68, %broadcast_in_dim3A_78, %broadcast_in_dim3A_88, %broadcast_in_dim3A_98, %broadcast_in_dim3A_108, %broadcast_in_dim3A_118, %broadcast_in_dim3A_128, %broadcast_in_dim3A_138, %broadcast_in_dim3A_148, %broadcast_in_dim3A_158, %broadcast_in_dim3A_168, %broadcast_in_dim3A_178, %broadcast_in_dim3A_188 in 1 : vector<512x1xf32>, vector<512x1xf32>, vector<512x1xf32>, vector<512x1xf32>, vector<512x1xf32>, vector<512x1xf32>, vector<512x1xf32>, vector<512x1xf32>, vector<512x1xf32>, vector<512x1xf32>, vector<512x1xf32>, vector<512x1xf32>, vector<512x1xf32>, vector<512x1xf32>, vector<512x1xf32>, vector<512x1xf32> -> vector<512x16xf32>
    %swap3A = arith.constant 0 : index
    %swap3A_192 = arith.constant 0 : index
    %swap3A_193 = vector.load %arg2[%swap3A, %swap3A_192] : memref<512x16xf32, #tpu.memory_space<vmem>>, vector<512x16xf32>
    tpu.vector_store %arg2[%swap3A, %swap3A_192], %concatenate3A_191 {strides = array<i32>} : memref<512x16xf32, #tpu.memory_space<vmem>>, vector<512x16xf32>,
    %concatenate3A_194 = tpu.concatenate %broadcast_in_dim3A_43, %broadcast_in_dim3A_50, %broadcast_in_dim3A_60, %broadcast_in_dim3A_70, %broadcast_in_dim3A_80, %broadcast_in_dim3A_90, %broadcast_in_dim3A_100, %broadcast_in_dim3A_110, %broadcast_in_dim3A_120, %broadcast_in_dim3A_130, %broadcast_in_dim3A_140, %broadcast_in_dim3A_150, %broadcast_in_dim3A_160, %broadcast_in_dim3A_170, %broadcast_in_dim3A_180, %broadcast_in_dim3A_190 in 1 : vector<512x1xi32>, vector<512x1xi32>, vector<512x1xi32>, vector<512x1xi32>, vector<512x1xi32>, vector<512x1xi32>, vector<512x1xi32>, vector<512x1xi32>, vector<512x1xi32>, vector<512x1xi32>, vector<512x1xi32>, vector<512x1xi32>, vector<512x1xi32>, vector<512x1xi32>, vector<512x1xi32>, vector<512x1xi32> -> vector<512x16xi32>
    %swap3A_195 = arith.constant 0 : index
    %swap3A_196 = arith.constant 0 : index
    %swap3A_197 = vector.load %arg3[%swap3A_195, %swap3A_196] : memref<512x16xi32, #tpu.memory_space<vmem>>, vector<512x16xi32>
    tpu.vector_store %arg3[%swap3A_195, %swap3A_196], %concatenate3A_194 {strides = array<i32>} : memref<512x16xi32, #tpu.memory_space<vmem>>, vector<512x16xi32>,
    return
  }
}

</mosaic_0001>

<sc_bundles>
// kernel: kernel.5.cloned.1.call-start
scs
__scs_entry_jumppad:
0x0: {  	(pc) =	sbr.rel $0x88, $3  }
0x1: {  	(tag) =	ssettag $0x0;
	lr =	simm.s32 $0x1  }
0x2: {  	[smem:$0x3F9A] =	sst lr;
	_ =	strace $0xD0000000  }
0x3: {  	_ = 	snop  }
0x4: {  	_ = 	snop  }
0x5: {  	_ = 	snop  }
0x6: {  	_ = 	snop  }
0x7: {  	_ = 	snop  }
__scs_overlays_trampoline_lowered:
0x8: {  	[smem:$0x3FA9] =	sst s0  }
0x9: {  	[smem:$0x3FAA] =	sst s1  }
0xa: {  	[smem:$0x3FAB] =	sst s2  }
0xb: {  	[smem:$0x3FAC] =	sst s3  }
0xc: {  	[smem:$0x3FAD] =	sst s4  }
0xd: {  	[smem:$0x3FAE] =	sst s5  }
0xe: {  	[smem:$0x3FAF] =	sst s6  }
0xf: {  	[smem:$0x3FB0] =	sst s7  }
0x10: {  	[smem:$0x3FB1] =	sst s8  }
0x11: {  	[smem:$0x3FB2] =	sst s9;
	s0 =	simm.s32 @!p0 $0x0  }
0x12: {  	s1 =	sld [smem:$0x3F98];
	s0 =	simm.s32 @p0 $0x1  }
0x13: {  	[smem:$0x3FB3] =	sst s0;
	s0 =	simm.s32 @!p1 $0x0  }
0x14: {  	s2 =	sld [smem:$0x3F97];
	s0 =	simm.s32 @p1 $0x1  }
0x15: {  	[smem:$0x3FB4] =	sst s0;
	s0 =	simm.s32 @!p2 $0x0  }
0x16: {  	s3 =	sld [smem:$0x3FDB];
	s0 =	simm.s32 @p2 $0x1  }
0x17: {  	s4 =	simm.s32 $0x1BF5;
	[smem:$0x3FB6] =	sst s0  }
0x18: {  	s0 =	sld [smem:$0x3F99];
	_ =	swait.ge [sflag:s4], $0x0  }
0x19: {  	s7 =	sld [smem:$0x3F9A]  }
0x1a: {  	s8 =	sadd.s32 $0xFFFFE003, lr  }
0x1b: {  	s9 =	sadd.s32 $0xFFFFFEF7, lr;
	s5 =	simm.s32 $0xFFFFFFFF;
	p2 =	slt.u32 s8, $0xFFFFF086  }
0x1c: {  	p1 =	slt.u32 s9, $0xF7A;
	s5 =	simm.s32 @!p2 $0x0  }
0x1d: {  	s5 =	simm.s32 @p1 $0x1;
	p0 =	seq.s32 s7, s2  }
0x1e: {  	s7 =	smul.u32 @!p0 $0xF7A, s2;
	p2 =	seq.s32 @!p0 s5, $0x0  }
0x1f: {  	s9 =	smul.u32 $0xF7A, s1;
	s8 =	simm.s32 @!p0 $0x1BF5;
	p2 =	por !p2, p0  }
0x20: {  	[sflag:s8] =	ssyncset.s32 @!p0 $0xFFFFF086;
	s6 =	sadd.s32 @!p0 s3, s7;
	s7 =	simm.s32 @!p0 $0x108  }
0x21: {  	s3 =	sadd.s32 s3, s9;
	s6 =	sadd.s32 @!p0 $0x88, s6;
	s7 =	simm.s32 @p2 $0x1082  }
0x22: {  	[simem:s7], [sflag:s8] =	dma.local @!p0 [hbm:s6], $0xF7A  }
0x23: {  	s9 =	sor.u32 $0xD0000000, s2;
	s6 =	simm.s32 $0x108;
	_ =	swait.ge @!p0 [sflag:s8], $0x0  }
0x24: {  	s3 =	sadd.s32 $0x88, s3;
	s6 =	simm.s32 @!p1 $0x1082;
	[sflag:s4] =	ssyncset.s32 $0xFFFFF086  }
0x25: {  	[simem:s6], [sflag:s4] =	dma.local [hbm:s3], $0xF7A  }
0x26: {  	[smem:$0x3F9A] =	sst s1;
	(tag) =	ssettag s2;
	_ =	strace s9  }
0x27: {  	s1 =	sld [smem:$0x3FAA]  }
0x28: {  	s2 =	sld [smem:$0x3FAB]  }
0x29: {  	s4 =	sld [smem:$0x3FAD]  }
0x2a: {  	p0 =	seq.s32 s5, $0x0;
	s5 =	sld [smem:$0x3FAE]  }
0x2b: {  	s6 =	sld [smem:$0x3FAF]  }
0x2c: {  	s7 =	sld [smem:$0x3FB0]  }
0x2d: {  	s3 =	simm.s32 $0x108;
	s8 =	sld [smem:$0x3FB1]  }
0x2e: {  	s3 =	simm.s32 @!p0 $0x1082;
	s9 =	sld [smem:$0x3FB2]  }
0x2f: {  	lr =	sadd.s32 s0, s3;
	s0 =	sld [smem:$0x3FA9]  }
0x30: {  	s3 =	sld [smem:$0x3FAC]  }
0x31: {  	[smem:$0x3FB5] =	sst s10  }
0x32: {  	s10 =	sld [smem:$0x3FB3];
	_ =	sdelay $0x3  }
0x33: {  	p0 =	seq.s32 s10, $0x1;
	s10 =	sld [smem:$0x3FB5];
	_ =	sdelay $0x3  }
0x34: {  	[smem:$0x3FB5] =	sst s10  }
0x35: {  	s10 =	sld [smem:$0x3FB4];
	_ =	sdelay $0x3  }
0x36: {  	p1 =	seq.s32 s10, $0x1;
	s10 =	sld [smem:$0x3FB5];
	_ =	sdelay $0x3  }
0x37: {  	[smem:$0x3FB5] =	sst s10  }
0x38: {  	s10 =	sld [smem:$0x3FB6]  }
0x39: {  	_ = 	snop;
	(pc) =	sbr.ind lr, $3  }
0x3a: {  	_ = 	snop  }
0x3b: {  	_ = 	snop  }
0x3c: {  	p2 =	seq.s32 s10, $0x1;
	s10 =	sld [smem:$0x3FB5]  }
0x3d: {  	_ =	shalt  }
0x3e: {  	_ =	shalt  }
0x3f: {  	_ =	shalt  }
0x40: {  	_ =	shalt  }
0x41: {  	_ =	shalt  }
0x42: {  	_ =	shalt  }
0x43: {  	_ =	shalt  }
0x44: {  	_ =	shalt  }
0x45: {  	_ =	shalt  }
0x46: {  	_ =	shalt  }
0x47: {  	_ =	shalt  }
0x48: {  	_ =	shalt  }
0x49: {  	_ =	shalt  }
0x4a: {  	_ =	shalt  }
0x4b: {  	_ =	shalt  }
0x4c: {  	_ =	shalt  }
0x4d: {  	_ =	shalt  }
0x4e: {  	_ =	shalt  }
0x4f: {  	_ =	shalt  }
0x50: {  	_ =	shalt  }
0x51: {  	_ =	shalt  }
0x52: {  	_ =	shalt  }
0x53: {  	_ =	shalt  }
0x54: {  	_ =	shalt  }
0x55: {  	_ =	shalt  }
0x56: {  	_ =	shalt  }
0x57: {  	_ =	shalt  }
0x58: {  	_ =	shalt  }
0x59: {  	_ =	shalt  }
0x5a: {  	_ =	shalt  }
0x5b: {  	_ =	shalt  }
0x5c: {  	_ =	shalt  }
0x5d: {  	_ =	shalt  }
0x5e: {  	_ =	shalt  }
0x5f: {  	_ =	shalt  }
0x60: {  	_ =	shalt  }
0x61: {  	_ =	shalt  }
0x62: {  	_ =	shalt  }
0x63: {  	_ =	shalt  }
0x64: {  	_ =	shalt  }
0x65: {  	_ =	shalt  }
0x66: {  	_ =	shalt  }
0x67: {  	_ =	shalt  }
0x68: {  	_ =	shalt  }
0x69: {  	_ =	shalt  }
0x6a: {  	_ =	shalt  }
0x6b: {  	_ =	shalt  }
0x6c: {  	_ =	shalt  }
0x6d: {  	_ =	shalt  }
0x6e: {  	_ =	shalt  }
0x6f: {  	_ =	shalt  }
0x70: {  	_ =	shalt  }
0x71: {  	_ =	shalt  }
0x72: {  	_ =	shalt  }
0x73: {  	_ =	shalt  }
0x74: {  	_ =	shalt  }
0x75: {  	_ =	shalt  }
0x76: {  	_ =	shalt  }
0x77: {  	_ =	shalt  }
0x78: {  	_ =	shalt  }
0x79: {  	_ =	shalt  }
0x7a: {  	_ =	shalt  }
0x7b: {  	_ =	shalt  }
0x7c: {  	_ =	shalt  }
0x7d: {  	_ =	shalt  }
0x7e: {  	_ =	shalt  }
0x7f: {  	_ =	shalt  }
0x80: {  	_ =	shalt  }
0x81: {  	_ =	shalt  }
0x82: {  	_ =	shalt  }
0x83: {  	_ =	shalt  }
0x84: {  	_ =	shalt  }
0x85: {  	_ =	shalt  }
0x86: {  	_ =	shalt  }
0x87: {  	_ =	shalt  }
.Lfunc_end0:
.L_simem_size_0:
called_computation_lowered:
.L_overlay_start_0:
0x88: {  	s2 =	sld [smem:$0x3FD9]  }
0x89: {  	s3 =	sld [smem:$0x3FFE];
	_ =	sdelay $0x1  }
0x8a: {  	s1 =	srdreg.scid  }
0x8b: {  	s0 =	sand.u32 $0x1, s1  }
0x8c: {  	s17 =	sshll.u32 s0, $0xA;
	s2 =	sadd.s32 s3, s2  }
0x8d: {  	s2 =	sadd.s32 s2, s17  }
0x8e: {  	[smem:$0x3FC1] =	sst s2  }
0x8f: {  	_ = 	snop  }
0x90: {  	s2 =	sld [smem:$0x3FC8];
	(tm) =	ssettm $0x1  }
0x91: {  	s18 =	sld [smem:$0x3FFB];
	_ =	sdelay $0x3  }
0x92: {  	_ =	strace s18  }
0x93: {  	s3 =	sld [smem:$0x3FFC];
	_ =	sdelay $0x3  }
0x94: {  	_ =	strace s3  }
0x95: {  	s3 =	sld [smem:$0x3FFD];
	_ =	sdelay $0x3  }
0x96: {  	_ =	strace s3  }
0x97: {  	_ =	strace $0x8FFFFFFF  }
0x98: {  	s19 =	sld [smem:$0x3FDB];
	_ =	sdelay $0x1  }
0x99: {  	s4 =	simm.s32 $_scs_section_size  }
0x9a: {  	s5 =	simm.s32 $_size__tile_overlayer_lowered;
	s6 =	simm.s32 $_tile_overlayer_lowered  }
0x9b: {  	s22 =	simm.s32 $0x1BFF;
	s21 =	sshll.u32 s6, $0x1;
	s3 =	sadd.s32 s4, s19  }
0x9c: {  	s7 =	simm.s32 $0x0;
	s20 =	sshll.u32 s5, $0x1;
	s5 =	sadd.s32 s21, s3  }
0x9d: {  	[timem:s7], [sflag:s22] =	dma.local [hbm:s5], s20  }
0x9e: {  	_ =	swait.ge [sflag:s22], s20  }
0x9f: {  	s4 =	ssub.s32 $0x0, s20;
	[sflag:s22] =	ssyncset.done $0x0  }
0xa0: {  	[sflag:s22] =	ssyncadd.s32 s4;
	_ =	sdelay $0x1  }
0xa1: {  	s23 =	simm.s32 $0x1B8B  }
0xa2: {  	_ =	swait.ge [sflag:s23], $0x1  }
0xa3: {  	[sflag:s23] =	ssyncset.done $0x0  }
0xa4: {  	s25 =	simm.s32 $0x1B8E;
	s24 =	sld [smem:$0x3FFE];
	[sflag:s23] =	ssyncadd.s32 $0xFFFFFFFF  }
0xa5: {  	s26 =	simm.s32 $execute0_lowered;
	[smem:$0x3FD2] =	sst s25  }
0xa6: {  	s5 =	sshll.u32 s26, $0x1;
	_ =	strace $0x80000046;
	[dreg:$0x1] =	wrdreg $0xFFFFFFFF  }
0xa7: {  	s28 =	simm.s32 $_size_execute0_lowered;
	s3 =	sadd.s32 s3, s5;
	[dreg:$0x0] =	wrdreg $0x0  }
0xa8: {  	s5 =	sshll.u32 s28, $0x1;
	[dreg:$0x2] =	wrdreg s3  }
0xa9: {  	[dreg:$0x3] =	wrdreg s5  }
0xaa: {  	[dreg:$0x4] =	wrdreg $0xC0  }
0xab: {  	_ =	task [dreg:s7], $0x5FFFF  }
0xac: {  	[dreg:$0x1] =	wrdreg $0xFFFFFFFF  }
0xad: {  	[dreg:$0x0] =	wrdreg $0x60  }
0xae: {  	[dreg:$0x2] =	wrdreg s24  }
0xaf: {  	[dreg:$0x3] =	wrdreg s2  }
0xb0: {  	[dreg:$0x4] =	wrdreg $0xB2700  }
0xb1: {  	[dreg:$0x5] =	wrdreg $0x9  }
0xb2: {  	_ =	task.clear_ibuf [dreg:s7], $0x6FFFF;
	_ =	strace $0x90000046  }
0xb3: {  	s29 =	simm.s32 $0x9;
	_ =	strace $0x80000048  }
0xb4: {  	_ =	swait.ge [sflag:s29], $0x1  }
0xb5: {  	[sflag:s29] =	ssyncadd.s32 $0xFFFFFFFF  }
0xb6: {  	_ =	strace $0x90000048  }
0xb7: {  	_ =	sfence  }
0xb8: {  	s30 =	sld [smem:$0x0];
	_ =	sdelay $0x2  }
0xb9: {  	s31 =	sshll.u32 s1, $0xD;
	s1 =	sshrl.u32 s1, $0x2  }
0xba: {  	s3 =	sand.u32 $0x4000, s31;
	s1 =	sadd.s32 s1, s30  }
0xbb: {  	s0 =	sor.u32 s3, s0;
	s1 =	sshll.u32 s1, $0x11  }
0xbc: {  	s0 =	sor.u32 s1, s0  }
0xbd: {  	s0 =	sadd.s32 $0x8F2B, s0  }
0xbe: {  	[sflag:s0] =	ssyncadd.remote.s32 $0x1  }
0xbf: {  	_ =	sfence.sel $0xFFFF  }
0xc0: {  	[dreg:$0x0] =	wrdreg $0xFFFFFFFF;
	(pc) =	sbr.abs _section_cstart, $3  }
0xc1: {  	[dreg:$0x1] =	wrdreg $0xFFFFFFFF  }
0xc2: {  	_ =	task.clear_ibuf [dreg:s7], $0x2FFFF;
	_ =	strace $0x9FFFFFFF  }
0xc3: {  	(tm) =	ssettm $0x7FFFFFFF  }
tec
execute0_lowered:
.L_overlay_start_1:
0x0: {  	(tag) =	ssettag $0x1  }
0x1: {  	s0 =	rddreg [dreg:$0x0]  }
0x2: {  	s1 =	rddreg [dreg:$0x1];
	s3 =	srdreg.scid  }
0x3: {  	s14 =	stileid.u32;
	s2 =	rddreg [dreg:$0x2];
	s21 =	simm.s32 $0x0  }
0x4: {  	s15 =	simm.s32 $0x50;
	s16 =	simm.s32 $0x4E70;
	s18 =	simm.s32 $0x6270  }
0x5: {  	s20 =	simm.s32 $0x7670;
	s28 =	simm.s32 $0x2;
	s29 =	simm.s32 $0x3  }
0x6: {  	s30 =	simm.s32 $0x4;
	s31 =	simm.s32 $0x5;
	s17 =	simm.s32 $0x0  }
0x7: {  	s5 =	sand.u32 $0x1, s3;
	s4 =	sshll.u32 s14, $0x1;
	s8 =	smul.u32 $0x27000, s14  }
0x8: {  	[smem:$0x7FF] =	sst s21;
	s12 =	smul.u32 $0x13800, s14;
	p0 =	sne.s32 s14, $0xF  }
0x9: {  	s14 =	simm.s32 $0x6;
	s4 =	sor.u32 s5, s4;
	_ =	strace $0x80000047  }
0xa: {  	s9 =	ssub.s32 $0x2, s5;
	s10 =	smul.u32 $0x138800, s5;
	s5 =	sadd.s32 $0x1F400, s0  }
0xb: {  	s7 =	smul.u32 $0x4E2, s4;
	s4 =	sadd.s32 $0x1C00, s0;
	s11 =	sshrl.u32 s9, $0x1  }
0xc: {  	s23 =	sshrl.u32 s8, $0x2;
	s13 =	ssub.s32 s9, s11;
	s24 =	sadd.s32 s12, s10  }
0xd: {  	s26 =	sshrl.u32 s10, $0x3;
	s9 =	sadd.s32 $0x9C000, s2;
	s6 =	sadd.s32 s7, s0  }
0xe: {  	s0 =	sadd.s32 $0x20800, s0;
	s1 =	sadd.s32 s1, s7;
	s25 =	sshrl.u32 s24, $0x3  }
.Ltmp0:
0xf: {  	s12 =	smax.u32 s13, $0x1;
	s13 =	simm.s32 $0x2710;
	(pc) =	sbr.rel .LBB2_1-.Ltmp0, $4  }
0x10: {  	s24 =	simm.s32 $0x9E70;
	s22 =	sadd.s32 $0x15600, s6;
	[dreg:$0x5] =	wrdreg s1  }
0x11: {  	s1 =	sadd.s32 s23, s2;
	s10 =	sadd.s32 s0, s25;
	s0 =	sadd.s32 s0, s26  }
0x12: {  	s25 =	simm.s32 $0x1;
	s26 =	simm.s32 $0x4E20;
	[dreg:$0x4] =	wrdreg s22  }
0x13: {  	[dreg:$0x6] =	wrdreg s1;
	s11 =	sadd.s32 $0x27000, s0;
	s22 =	simm.s32 $0x8A70  }
.LBB2_4:
0x14: {  	[bflag:$0x0] =	sbarrier.arrive $0xFFFF;
	s0 =	simm.s32 $0x10;
	s1 =	simm.s32 $0x8  }
0x15: {  	[hbm:s10@s0], [sflag:s19] =	dma.strided [spmem:s23@s1], $0x1380, s25, $0x8   }
0x16: {  	s3 =	simm.s32 @!p0 $0x8;
	_ =	swait.ge [sflag:s14], $0x1380  }
0x17: {  	s17 =	sadd.s32 $0x1, s17;
	s0 =	simm.s32 @!p0 $0x1;
	[sflag:s14] =	ssyncset.done $0x0  }
0x18: {  	s1 =	simm.s32 @!p0 $0x10;
	p1 =	sne.s32 s17, s12;
	[sflag:s14] =	ssyncadd.s32 $0xFFFFEC80  }
0x19: {  	[hbm:s11@s1], [sflag:s19] =	dma.strided @!p0 [spmem:s21@s3], $0x80, s0, $0x8   }
.Ltmp1:
0x1a: {  	_ = 	snop;
	(pc) =	sbr.rel @!p1 .LBB2_5-.Ltmp1, $4  }
0x1b: {  	s0 =	simm.s32 @!p0 $0x6  }
0x1c: {  	_ =	swait.ge @!p0 [sflag:s0], $0x80  }
0x1d: {  	[sflag:s0] =	ssyncset.done @!p0 $0x0  }
0x1e: {  	[sflag:s0] =	ssyncadd.s32 @!p0 $0xFFFFFF80  }
.LBB2_1:
0x1f: {  	s0 =	simm.s32 $0x0;
	s1 =	rddreg [dreg:$0x4]  }
0x20: {  	[tilespmem:s13], [sflag:$0x6] =	stream.linear.gather [hbm4b:s1+s0], $0x2710, $0x38;
	[tilespmem:$0x14EB0] =	vst v63  }
0x21: {  	_ =	swait.ge [sflag:s14], $0x2710  }
0x22: {  	[sflag:s14] =	ssyncset.done $0x0  }
0x23: {  	[sflag:s14] =	ssyncadd.s32 $0xFFFFD8F0  }
0x24: {  	[tilespmem:s16], [sflag:$0x1] =	stream.indirect.gather [hbm4b:s4+s15], $0x40, s13, s15, $0xb8;
	[tilespmem:$0x14EB0] =	vst v63  }
0x25: {  	s3 =	simm.s32 $0x2760  }
0x26: {  	[tilespmem:s18], [sflag:$0x2] =	stream.indirect.gather [hbm4b:s4+s15], $0x40, s3, s15, $0xb8;
	[tilespmem:$0x14EB0] =	vst v63  }
0x27: {  	s6 =	simm.s32 $0x27B0  }
0x28: {  	[tilespmem:s20], [sflag:$0x3] =	stream.indirect.gather [hbm4b:s4+s15], $0x40, s6, s15, $0xb8;
	[tilespmem:$0x14EB0] =	vst v63  }
0x29: {  	s7 =	simm.s32 $0x2800  }
0x2a: {  	[tilespmem:s22], [sflag:$0x4] =	stream.indirect.gather [hbm4b:s4+s15], $0x40, s7, s15, $0xb8;
	[tilespmem:$0x14EB0] =	vst v63  }
0x2b: {  	s8 =	simm.s32 $0x2850  }
0x2c: {  	[tilespmem:s24], [sflag:$0x5] =	stream.indirect.gather [hbm4b:s4+s15], $0x40, s8, s15, $0xb8;
	[tilespmem:$0x14EB0] =	vst v63  }
0x2d: {  	s19 =	rddreg [dreg:$0x5]  }
0x2e: {  	[tilespmem:s0], [sflag:$0x6] =	stream.linear.gather [hbm4b:s19+s0], $0x2710, $0x38;
	[tilespmem:$0x14EB0] =	vst v63  }
0x2f: {  	s21 =	stileid.u32;
	_ =	swait.ge [sflag:s14], $0x2710  }
0x30: {  	s0 =	sshll.u32 s21, $0x6;
	[sflag:s14] =	ssyncset.done $0x0;
	s23 =	rddreg [dreg:$0x6]  }
0x31: {  	s19 =	sor.u32 $0x1C06, s0;
	[sflag:s14] =	ssyncadd.s32 $0xFFFFD8F0;
	s23 =	sshrl.u32 s23, $0x3  }
0x32: {  	[spmem:s23], [sflag:s19] =	dma.local [hbm:s5], $0x1380  }
0x33: {  	_ =	swait.ge [sflag:s14], $0x1380  }
0x34: {  	[sflag:s14] =	ssyncset.done $0x0  }
0x35: {  	s21 =	sshrl.u32 @!p0 s9, $0x3;
	s0 =	simm.s32 @!p0 $0x6;
	[sflag:s14] =	ssyncadd.s32 $0xFFFFEC80  }
0x36: {  	[spmem:s21], [sflag:s19] =	dma.local @!p0 [hbm:s5], $0x80  }
0x37: {  	_ =	swait.ge @!p0 [sflag:s0], $0x80  }
0x38: {  	[sflag:s0] =	ssyncset.done @!p0 $0x0  }
0x39: {  	[sflag:s0] =	ssyncadd.s32 @!p0 $0xFFFFFF80  }
0x3a: {  	s1 =	simm.s32 $0x0;
	[bflag:$0x0] =	sbarrier.arrive $0xFFFF  }
.LBB2_2:
0x3b: {  	_ =	swait.ge [sflag:s25], $0x1400  }
0x3c: {  	[sflag:s25] =	ssyncset.done $0x0  }
0x3d: {  	s0 =	sshra.s32 s1, $0x2;
	[sflag:s25] =	ssyncadd.s32 $0xFFFFEC00  }
0x3e: {  	v0 =	vld [tilespmem:s0+$0x0];
	_ =	sdelay $0x4  }
0x3f: {  	[tilespmem:$0x4E20] =	vst v0  }
0x40: {  	v0 =	vld [tilespmem:s0+$0x10];
	_ =	sdelay $0x4  }
0x41: {  	[tilespmem:$0x4E30] =	vst v0  }
0x42: {  	v0 =	vld [tilespmem:s0+$0x20];
	_ =	sdelay $0x4  }
0x43: {  	[tilespmem:$0x4E40] =	vst v0  }
0x44: {  	v0 =	vld [tilespmem:s0+$0x30];
	_ =	sdelay $0x4  }
0x45: {  	[tilespmem:$0x4E50] =	vst v0  }
0x46: {  	v0 =	vld [tilespmem:s0+$0x40];
	_ =	sdelay $0x4  }
0x47: {  	[tilespmem:$0x4E60] =	vst v0  }
0x48: {  	[spmem:s2] =	stream.indirect.scatter.add.f32 [tilespmem:s16], [sflag:$0x6], $0x40, s26, s15, $0xb8;
	[tilespmem:$0x14EB0] =	vst v63  }
0x49: {  	p1 =	seq.s32 s1, $0x9600;
	_ =	swait.ge [sflag:s14], $0x1400  }
0x4a: {  	s3 =	sshra.s32 @!p1 s1, $0x2;
	s7 =	simm.s32 @!p1 $0x50;
	[sflag:s14] =	ssyncset.done $0x0  }
0x4b: {  	s8 =	simm.s32 @!p1 $0x4E70;
	s6 =	sadd.s32 @!p1 $0x28A0, s3;
	[sflag:s14] =	ssyncadd.s32 $0xFFFFEC00  }
0x4c: {  	[tilespmem:s8], [sflag:$0x1] =	stream.indirect.gather @!p1 [hbm4b:s4+s7], $0x40, s6, s7, $0xb8;
	[tilespmem:$0x14EB0] =	vst v63  }
0x4d: {  	_ =	swait.ge [sflag:s28], $0x1400  }
0x4e: {  	[sflag:s28] =	ssyncset.done $0x0  }
0x4f: {  	[sflag:s28] =	ssyncadd.s32 $0xFFFFEC00  }
0x50: {  	v60 =	vld [tilespmem:s0+$0x50];
	_ =	sdelay $0x4  }
0x51: {  	[tilespmem:$0x4E20] =	vst v60  }
0x52: {  	v0 =	vld [tilespmem:s0+$0x60];
	_ =	sdelay $0x4  }
0x53: {  	[tilespmem:$0x4E30] =	vst v0  }
0x54: {  	v0 =	vld [tilespmem:s0+$0x70];
	_ =	sdelay $0x4  }
0x55: {  	[tilespmem:$0x4E40] =	vst v0  }
0x56: {  	v0 =	vld [tilespmem:s0+$0x80];
	_ =	sdelay $0x4  }
0x57: {  	[tilespmem:$0x4E50] =	vst v0  }
0x58: {  	v0 =	vld [tilespmem:s0+$0x90];
	_ =	sdelay $0x4  }
0x59: {  	[tilespmem:$0x4E60] =	vst v0  }
0x5a: {  	[spmem:s2] =	stream.indirect.scatter.add.f32 [tilespmem:s18], [sflag:$0x6], $0x40, s26, s15, $0xb8;
	[tilespmem:$0x14EB0] =	vst v63  }
0x5b: {  	_ =	swait.ge [sflag:s14], $0x1400  }
0x5c: {  	[sflag:s14] =	ssyncset.done $0x0  }
0x5d: {  	s6 =	sadd.s32 @!p1 $0x28F0, s3;
	s8 =	simm.s32 @!p1 $0x6270;
	[sflag:s14] =	ssyncadd.s32 $0xFFFFEC00  }
0x5e: {  	[tilespmem:s8], [sflag:$0x2] =	stream.indirect.gather @!p1 [hbm4b:s4+s7], $0x40, s6, s7, $0xb8;
	[tilespmem:$0x14EB0] =	vst v63  }
0x5f: {  	_ =	swait.ge [sflag:s29], $0x1400  }
0x60: {  	[sflag:s29] =	ssyncset.done $0x0  }
0x61: {  	[sflag:s29] =	ssyncadd.s32 $0xFFFFEC00  }
0x62: {  	v61 =	vld [tilespmem:s0+$0xA0];
	_ =	sdelay $0x4  }
0x63: {  	[tilespmem:$0x4E20] =	vst v61  }
0x64: {  	v0 =	vld [tilespmem:s0+$0xB0];
	_ =	sdelay $0x4  }
0x65: {  	[tilespmem:$0x4E30] =	vst v0  }
0x66: {  	v0 =	vld [tilespmem:s0+$0xC0];
	_ =	sdelay $0x4  }
0x67: {  	[tilespmem:$0x4E40] =	vst v0  }
0x68: {  	v0 =	vld [tilespmem:s0+$0xD0];
	_ =	sdelay $0x4  }
0x69: {  	[tilespmem:$0x4E50] =	vst v0  }
0x6a: {  	v0 =	vld [tilespmem:s0+$0xE0];
	_ =	sdelay $0x4  }
0x6b: {  	[tilespmem:$0x4E60] =	vst v0  }
0x6c: {  	[spmem:s2] =	stream.indirect.scatter.add.f32 [tilespmem:s20], [sflag:$0x6], $0x40, s26, s15, $0xb8;
	[tilespmem:$0x14EB0] =	vst v63  }
0x6d: {  	_ =	swait.ge [sflag:s14], $0x1400  }
0x6e: {  	[sflag:s14] =	ssyncset.done $0x0  }
0x6f: {  	s6 =	sadd.s32 @!p1 $0x2940, s3;
	s8 =	simm.s32 @!p1 $0x7670;
	[sflag:s14] =	ssyncadd.s32 $0xFFFFEC00  }
0x70: {  	[tilespmem:s8], [sflag:$0x3] =	stream.indirect.gather @!p1 [hbm4b:s4+s7], $0x40, s6, s7, $0xb8;
	[tilespmem:$0x14EB0] =	vst v63  }
0x71: {  	_ =	swait.ge [sflag:s30], $0x1400  }
0x72: {  	[sflag:s30] =	ssyncset.done $0x0  }
0x73: {  	[sflag:s30] =	ssyncadd.s32 $0xFFFFEC00  }
0x74: {  	v62 =	vld [tilespmem:s0+$0xF0];
	_ =	sdelay $0x4  }
0x75: {  	[tilespmem:$0x4E20] =	vst v62  }
0x76: {  	v0 =	vld [tilespmem:s0+$0x100];
	_ =	sdelay $0x4  }
0x77: {  	[tilespmem:$0x4E30] =	vst v0  }
0x78: {  	v0 =	vld [tilespmem:s0+$0x110];
	_ =	sdelay $0x4  }
0x79: {  	[tilespmem:$0x4E40] =	vst v0  }
0x7a: {  	v0 =	vld [tilespmem:s0+$0x120];
	_ =	sdelay $0x4  }
0x7b: {  	[tilespmem:$0x4E50] =	vst v0  }
0x7c: {  	v0 =	vld [tilespmem:s0+$0x130];
	_ =	sdelay $0x4  }
0x7d: {  	[tilespmem:$0x4E60] =	vst v0  }
0x7e: {  	[spmem:s2] =	stream.indirect.scatter.add.f32 [tilespmem:s22], [sflag:$0x6], $0x40, s26, s15, $0xb8;
	[tilespmem:$0x14EB0] =	vst v63  }
0x7f: {  	_ =	swait.ge [sflag:s14], $0x1400  }
0x80: {  	[sflag:s14] =	ssyncset.done $0x0  }
0x81: {  	s3 =	sadd.s32 @!p1 $0x2990, s3;
	s6 =	simm.s32 @!p1 $0x8A70;
	[sflag:s14] =	ssyncadd.s32 $0xFFFFEC00  }
0x82: {  	[tilespmem:s6], [sflag:$0x4] =	stream.indirect.gather @!p1 [hbm4b:s4+s7], $0x40, s3, s7, $0xb8;
	[tilespmem:$0x14EB0] =	vst v63  }
0x83: {  	_ =	swait.ge [sflag:s31], $0x1400  }
0x84: {  	[sflag:s31] =	ssyncset.done $0x0  }
0x85: {  	[sflag:s31] =	ssyncadd.s32 $0xFFFFEC00  }
0x86: {  	v63 =	vld [tilespmem:s0+$0x140];
	_ =	sdelay $0x4  }
0x87: {  	[tilespmem:$0x4E20] =	vst v63  }
0x88: {  	v0 =	vld [tilespmem:s0+$0x150];
	_ =	sdelay $0x4  }
0x89: {  	[tilespmem:$0x4E30] =	vst v0  }
0x8a: {  	v0 =	vld [tilespmem:s0+$0x160];
	_ =	sdelay $0x4  }
0x8b: {  	[tilespmem:$0x4E40] =	vst v0  }
0x8c: {  	v0 =	vld [tilespmem:s0+$0x170];
	_ =	sdelay $0x4  }
0x8d: {  	[tilespmem:$0x4E50] =	vst v0  }
0x8e: {  	v0 =	vld [tilespmem:s0+$0x180];
	_ =	sdelay $0x4  }
.Ltmp2:
0x8f: {  	[tilespmem:$0x4E60] =	vst v0;
	(pc) =	sbr.rel @p1 .LBB2_4-.Ltmp2, $4  }
0x90: {  	[spmem:s2] =	stream.indirect.scatter.add.f32 [tilespmem:s24], [sflag:$0x6], $0x40, s26, s15, $0xb8;
	[tilespmem:$0x14EB0] =	vst v63  }
0x91: {  	_ =	swait.ge [sflag:s14], $0x1400  }
0x92: {  	[sflag:s14] =	ssyncset.done $0x0  }
0x93: {  	[sflag:s14] =	ssyncadd.s32 $0xFFFFEC00  }
.Ltmp3:
0x94: {  	(pc) =	sbr.rel .LBB2_2-.Ltmp3, $3  }
0x95: {  	_ =	sdelay $0x1  }
0x96: {  	s0 =	sadd.s32 $0x29E0, s0;
	s1 =	sadd.s32 $0x640, s1  }
0x97: {  	[tilespmem:s24], [sflag:$0x5] =	stream.indirect.gather [hbm4b:s4+s15], $0x40, s0, s15, $0xb8;
	[tilespmem:$0x14EB0] =	vst v63  }
.LBB2_5:
0x98: {  	_ =	sfence.sel $0x180000  }
0x99: {  	[bflag:$0x0] =	sbarrier.arrive $0xFFFF  }
0x9a: {  	_ =	strace $0x90000047  }
0x9b: {  	s0 =	stileid.u32;
	[bflag:$0x2] =	sbarrier.arrive $0xFFFF  }
0x9c: {  	p0 =	sne.s32 s0, $0x0;
	s0 =	rddreg [dreg:$0x3]  }
0x9d: {  	s0 =	sadd.s32 @!p0 $0x100000, s0  }
0x9e: {  	[sflag:s0] =	ssyncadd.tile.s32 @!p0 $0x1;
	_ =	shalt  }
.Lfunc_end2:
_tile_overlayer_lowered:
.L_overlay_start_2:
0x9f: {  	(tag) =	ssettag $0x2  }
0xa0: {  	s0 =	rddreg [dreg:$0x0];
	s2 =	stileid.u32  }
0xa1: {  	s1 =	rddreg [dreg:$0x1];
	p0 =	sne.s32 s2, $0x0  }
0xa2: {  	s3 =	rddreg [dreg:$0x2];
	[bflag:$0x3] =	sbarrier.arrive $0xFFFF;
	s2 =	simm.s32 @!p0 $0x1C06  }
0xa3: {  	[timem:s3], [sflag:s2] =	dma.local @!p0 [hbm:s0], s1  }
0xa4: {  	s0 =	simm.s32 @!p0 $0x6  }
0xa5: {  	_ =	swait.ge @!p0 [sflag:s0], s1  }
0xa6: {  	s1 =	ssub.s32 @!p0 $0x0, s1;
	[sflag:s0] =	ssyncset.done @!p0 $0x0  }
0xa7: {  	[sflag:s0] =	ssyncadd.s32 @!p0 s1  }
0xa8: {  	[bflag:$0x3] =	sbarrier.arrive $0xFFFF  }
0xa9: {  	_ =	shalt  }

</sc_bundles>
